<compile_context>
chip_gen: v7x
topology: tpu7x:2x2x1
jax: 0.10.2.dev20260603
libtpu: 0.0.44.dev20260713+nightly
codegen_flags: <defaults>
</compile_context>

<pallas_src>
import functools

import jax
import jax.numpy as jnp
from jax import lax
from jax.experimental import pallas as pl
from jax.experimental.pallas import tpu as pltpu
from jax.experimental.pallas import tpu_sc as plsc

N = 10000
E = 320000
F = 128
R = 8

NC = 2
NS = 16
NW = NC * NS
EPW = E // NW
CHUNK = 80
NCHUNK = EPW // CHUNK
PHASE_A = 65
PHASE_B = NCHUNK - PHASE_A
NWOUT = 10
ROWS_PT = N // NWOUT
DEGW = 16


_BN = 1000


def _xw_body(x_ref, w_ref, o_ref):
    o_ref[...] = jnp.dot(
        x_ref[...], w_ref[0], preferred_element_type=jnp.float32)


def _compute_xw(x, weight):
    return pl.pallas_call(
        _xw_body,
        grid=(N // _BN, R),
        in_specs=[
            pl.BlockSpec((_BN, F), lambda i, r: (i, 0)),
            pl.BlockSpec((1, F, F), lambda i, r: (r, 0, 0)),
        ],
        out_specs=pl.BlockSpec((_BN, F), lambda i, r: (r * (N // _BN) + i, 0)),
        out_shape=jax.ShapeDtypeStruct((R * N, F), jnp.float32),
    )(x, weight)


def _sc_body(xw_hbm, gidx_hbm, dst_hbm, zacc_hbm, zdeg_hbm, ones_hbm,
             out_hbm, deg_hbm,
             gidx_v, dst_v, rows_v, ones_v,
             acc_s, deg_s, gsem, dsem, msem):
    c = lax.axis_index("c")
    s = lax.axis_index("s")
    wid = s * NC + c

    pltpu.sync_copy(ones_hbm, ones_v)

    @pl.when(s < NWOUT)
    def _init():
        sl = pl.ds(s * ROWS_PT, ROWS_PT)
        pltpu.sync_copy(zacc_hbm, acc_s.at[sl])
        pltpu.sync_copy(zdeg_hbm, deg_s.at[sl])

    def _phase(L):
        pltpu.async_copy(xw_hbm.at[gidx_v.at[0]], rows_v.at[0], gsem)
        pltpu.async_copy(xw_hbm.at[gidx_v.at[1]], rows_v.at[1], gsem)

        @pl.loop(0, L, step=2)
        def _step(g):
            for b in range(2):
                j = g + b

                @pl.when(j < L)
                def _do():
                    pltpu.make_async_copy(
                        xw_hbm.at[gidx_v.at[j]], rows_v.at[b], gsem).wait()
                    pltpu.sync_copy(ones_v, deg_s.at[dst_v.at[j]], add=True)
                    pltpu.sync_copy(
                        rows_v.at[b], acc_s.at[dst_v.at[j]], add=True)

                    @pl.when(j + 2 < L)
                    def _next_gather():
                        pltpu.async_copy(
                            xw_hbm.at[gidx_v.at[j + 2]], rows_v.at[b], gsem)

    pltpu.sync_copy(gidx_hbm.at[wid, pl.ds(0, PHASE_A)], gidx_v)
    pltpu.sync_copy(dst_hbm.at[wid, pl.ds(0, PHASE_A)], dst_v)

    plsc.subcore_barrier()

    _phase(PHASE_A)

    pltpu.sync_copy(gidx_hbm.at[wid, pl.ds(PHASE_A, PHASE_B)],
                    gidx_v.at[pl.ds(0, PHASE_B)])
    pltpu.sync_copy(dst_hbm.at[wid, pl.ds(PHASE_A, PHASE_B)],
                    dst_v.at[pl.ds(0, PHASE_B)])
    _phase(PHASE_B)

    plsc.subcore_barrier()

    @pl.when(s < NWOUT)
    def _writeout():
        sl = pl.ds(s * ROWS_PT, ROWS_PT)
        pltpu.sync_copy(acc_s.at[sl], out_hbm.at[c, sl])
        pltpu.sync_copy(deg_s.at[sl], deg_hbm.at[c, sl])


def _sc_scatter(xw_flat, gidx3, dst3):
    mesh = plsc.VectorSubcoreMesh(core_axis_name="c", subcore_axis_name="s")
    f = functools.partial(
        pl.kernel,
        out_type=[
            jax.ShapeDtypeStruct((NC, N, F), jnp.float32),
            jax.ShapeDtypeStruct((NC, N, DEGW), jnp.float32),
        ],
        mesh=mesh,
        compiler_params=pltpu.CompilerParams(use_tc_tiling_on_sc=False),
        scratch_types=[
            pltpu.VMEM((PHASE_A, CHUNK), jnp.int32),
            pltpu.VMEM((PHASE_A, CHUNK), jnp.int32),
            pltpu.VMEM((2, CHUNK, F), jnp.float32),
            pltpu.VMEM((CHUNK, DEGW), jnp.float32),
            pltpu.VMEM_SHARED((N, F), jnp.float32),
            pltpu.VMEM_SHARED((N, DEGW), jnp.float32),
            pltpu.SemaphoreType.DMA,
            pltpu.SemaphoreType.DMA,
            pltpu.SemaphoreType.DMA,
        ],
    )(_sc_body)
    zacc = jnp.zeros((ROWS_PT, F), jnp.float32)
    zdeg = jnp.zeros((ROWS_PT, DEGW), jnp.float32)
    ones = jnp.ones((CHUNK, DEGW), jnp.float32)
    return f(xw_flat, gidx3, dst3, zacc, zdeg, ones)


def _fin_body(p_ref, d_ref, o_ref):
    psum = p_ref[0] + p_ref[1]
    deg = d_ref[0, :, 0:1] + d_ref[1, :, 0:1]
    o_ref[...] = psum / jnp.maximum(deg, 1.0)


def _finalize(partials, degs):
    return pl.pallas_call(
        _fin_body,
        grid=(N // _BN,),
        in_specs=[
            pl.BlockSpec((NC, _BN, F), lambda i: (0, i, 0)),
            pl.BlockSpec((NC, _BN, DEGW), lambda i: (0, i, 0)),
        ],
        out_specs=pl.BlockSpec((_BN, F), lambda i: (i, 0)),
        out_shape=jax.ShapeDtypeStruct((N, F), jnp.float32),
    )(partials, degs)


def kernel(x, edge_index, rel_type, weight):
    src = edge_index[0].astype(jnp.int32)
    dst = edge_index[1].astype(jnp.int32)
    rel = rel_type.astype(jnp.int32)
    gidx = (rel * N + src).reshape(NW, NCHUNK, CHUNK)
    dst3 = dst.reshape(NW, NCHUNK, CHUNK)
    xw = _compute_xw(x.astype(jnp.bfloat16), weight.astype(jnp.bfloat16))
    partials, degs = _sc_scatter(xw, gidx, dst3)
    return _finalize(partials, degs)

# --- scband reference (transcript-rebuilt; emitter-appended) ---
"""Pipeline reference for scband-rgcnlayer-25572235280738 (READ-ONLY COPY).

The authoritative reference and input builder live on the scoring server;
editing this copy changes nothing except your own understanding.
"""

import jax, jax.numpy as jnp
import numpy as np

N = 10000
E = 320000
IN_FEAT = 128
OUT_FEAT = 128
NUM_RELS = 8


def setup_inputs(seed: int = 0) -> dict:
    key = jax.random.key(seed)
    k1, k2, k3, k4 = jax.random.split(key, 4)
    x = jax.random.normal(k1, (N, IN_FEAT), dtype=jnp.float32)
    edge_index = jax.random.randint(k2, (2, E), 0, N)
    rel_type = jax.random.randint(k3, (E,), 0, NUM_RELS)
    # Xavier-uniform init (gain for relu = sqrt(2)) over [num_rels, in, out]
    gain = float(np.sqrt(2.0))
    bound = gain * float(np.sqrt(6.0 / (IN_FEAT + OUT_FEAT)))
    weight = jax.random.uniform(k4, (NUM_RELS, IN_FEAT, OUT_FEAT), dtype=jnp.float32, minval=-bound, maxval=bound)
    return {"x": x, "edge_index": edge_index, "rel_type": rel_type, "weight": weight}


def reference(x, edge_index, rel_type, weight):
    src = edge_index[0]
    dst = edge_index[1]
    # message_func: msg_e = x[src_e] @ weight[rel_type_e]
    # Precompute x transformed by every relation (faithful math, avoids
    # materializing a per-edge [E, IN, OUT] weight tensor):
    # xw[n, r, :] = x[n] @ weight[r]
    xw = jnp.einsum('ni,rio->nro', x, weight)
    msg = xw[src, rel_type]  # [E, OUT]
    # fn.mean(msg) aggregation over incoming edges per dst node
    msg_sum = jax.ops.segment_sum(msg, dst, num_segments=N)
    deg = jax.ops.segment_sum(jnp.ones((E,), dtype=jnp.float32), dst, num_segments=N)
    h = msg_sum / jnp.clip(deg, 1.0)[:, None]
    # bias=None, activation=None -> apply_func is identity
    return h

if __name__ == "__main__":
    import jax
    _d = setup_inputs()
    print(jax.jit(kernel)(*tuple(_d.values())))

</pallas_src>

<mosaic_0001>
#map = affine_map<(d0, d1) -> (0, 0)>
#map1 = affine_map<(d0, d1) -> (0, 0, 0)>
module attributes {stable_mosaic.version = 14 : i64} {
  func.func @_sc_body(%arg0: i32, %arg1: i32, %arg2: memref<80000x128xf32, #tpu.memory_space<hbm>>, %arg3: memref<32x125x80xi32, #tpu.memory_space<hbm>>, %arg4: memref<32x125x80xi32, #tpu.memory_space<hbm>>, %arg5: memref<1000x128xf32, #tpu.memory_space<hbm>>, %arg6: memref<1000x16xf32, #tpu.memory_space<hbm>>, %arg7: memref<80x16xf32, #tpu.memory_space<hbm>>, %arg8: memref<2x10000x128xf32, #tpu.memory_space<hbm>>, %arg9: memref<2x10000x16xf32, #tpu.memory_space<hbm>>, %arg10: memref<65x80xi32, #tpu.memory_space<vmem>>, %arg11: memref<65x80xi32, #tpu.memory_space<vmem>>, %arg12: memref<2x80x128xf32, #tpu.memory_space<vmem>>, %arg13: memref<80x16xf32, #tpu.memory_space<vmem>>, %arg14: memref<10000x128xf32, #tpu.memory_space<vmem_shared>>, %arg15: memref<10000x16xf32, #tpu.memory_space<vmem_shared>>, %arg16: memref<!tpu.dma_semaphore, #tpu.memory_space<semaphore_mem>>, %arg17: memref<!tpu.dma_semaphore, #tpu.memory_space<semaphore_mem>>, %arg18: memref<!tpu.dma_semaphore, #tpu.memory_space<semaphore_mem>>) attributes {dimension_semantics = [#tpu.dimension_semantics<core_parallel>, #tpu.dimension_semantics<subcore_parallel>], iteration_bounds = array<i64: 2, 16>, scalar_prefetch = 0 : i64, scratch_operands = 9 : i64, tpu.core_type = #tpu.core_type<sc_vector_subcore>, window_params = [{transform_indices = #map}, {transform_indices = #map1}, {transform_indices = #map1}, {transform_indices = #map}, {transform_indices = #map}, {transform_indices = #map}, {transform_indices = #map1}, {transform_indices = #map1}]} {
    %mul3A = arith.constant 2 : i32
    %mul3A_0 = arith.muli %arg1, %mul3A : i32
    %add3A = arith.addi %mul3A_0, %arg0 : i32
    "tpu.region"() ({
      %run_scoped3A = tpu.sem_alloc : memref<!tpu.dma_semaphore, #tpu.memory_space<semaphore_mem>>
      tpu.enqueue_dma source(%arg7 : memref<80x16xf32, #tpu.memory_space<hbm>>) target(%arg13 : memref<80x16xf32, #tpu.memory_space<vmem>>) target_semaphore(%run_scoped3A : memref<!tpu.dma_semaphore, #tpu.memory_space<semaphore_mem>>)
      tpu.wait_dma2 semaphore(%run_scoped3A : memref<!tpu.dma_semaphore, #tpu.memory_space<semaphore_mem>>) src(%arg7 : memref<80x16xf32, #tpu.memory_space<hbm>>) dst(%arg13 : memref<80x16xf32, #tpu.memory_space<vmem>>)
      tpu.yield
    }) : () -> ()
    %lt3A = arith.constant 10 : i32
    %lt3A_1 = arith.cmpi slt, %arg1, %lt3A : i32
    %convert_element_type3A = arith.extui %lt3A_1 : i1 to i32
    %cond3A = arith.constant 0 : i32
    %cond3A_2 = arith.cmpi ne, %convert_element_type3A, %cond3A : i32
    scf.if %cond3A_2 {
      %mul3A_65 = arith.constant 1000 : i32
      %mul3A_66 = arith.muli %arg1, %mul3A_65 : i32
      "tpu.region"() ({
        %run_scoped3A = tpu.sem_alloc : memref<!tpu.dma_semaphore, #tpu.memory_space<semaphore_mem>>
        %dma_start3A_67 = arith.constant 0 : i32
        %dma_start3A_68 = tpu.memref_slice %arg14[%mul3A_66, %dma_start3A_67] : memref<10000x128xf32, #tpu.memory_space<vmem_shared>> -> memref<1000x128xf32, #tpu.memory_space<vmem_shared>>
        tpu.enqueue_dma source(%arg5 : memref<1000x128xf32, #tpu.memory_space<hbm>>) target(%dma_start3A_68 : memref<1000x128xf32, #tpu.memory_space<vmem_shared>>) target_semaphore(%run_scoped3A : memref<!tpu.dma_semaphore, #tpu.memory_space<semaphore_mem>>)
        %dma_wait3A = arith.constant 0 : i32
        %dma_wait3A_69 = tpu.memref_slice %arg14[%mul3A_66, %dma_wait3A] : memref<10000x128xf32, #tpu.memory_space<vmem_shared>> -> memref<1000x128xf32, #tpu.memory_space<vmem_shared>>
        tpu.wait_dma2 semaphore(%run_scoped3A : memref<!tpu.dma_semaphore, #tpu.memory_space<semaphore_mem>>) src(%arg5 : memref<1000x128xf32, #tpu.memory_space<hbm>>) dst(%dma_wait3A_69 : memref<1000x128xf32, #tpu.memory_space<vmem_shared>>)
        tpu.yield
      }) : () -> ()
      "tpu.region"() ({
        %run_scoped3A = tpu.sem_alloc : memref<!tpu.dma_semaphore, #tpu.memory_space<semaphore_mem>>
        %dma_start3A_67 = arith.constant 0 : i32
        %dma_start3A_68 = tpu.memref_slice %arg15[%mul3A_66, %dma_start3A_67] : memref<10000x16xf32, #tpu.memory_space<vmem_shared>> -> memref<1000x16xf32, #tpu.memory_space<vmem_shared>>
        tpu.enqueue_dma source(%arg6 : memref<1000x16xf32, #tpu.memory_space<hbm>>) target(%dma_start3A_68 : memref<1000x16xf32, #tpu.memory_space<vmem_shared>>) target_semaphore(%run_scoped3A : memref<!tpu.dma_semaphore, #tpu.memory_space<semaphore_mem>>)
        %dma_wait3A = arith.constant 0 : i32
        %dma_wait3A_69 = tpu.memref_slice %arg15[%mul3A_66, %dma_wait3A] : memref<10000x16xf32, #tpu.memory_space<vmem_shared>> -> memref<1000x16xf32, #tpu.memory_space<vmem_shared>>
        tpu.wait_dma2 semaphore(%run_scoped3A : memref<!tpu.dma_semaphore, #tpu.memory_space<semaphore_mem>>) src(%arg6 : memref<1000x16xf32, #tpu.memory_space<hbm>>) dst(%dma_wait3A_69 : memref<1000x16xf32, #tpu.memory_space<vmem_shared>>)
        tpu.yield
      }) : () -> ()
    } else {
    }
    "tpu.region"() ({
      %run_scoped3A = tpu.sem_alloc : memref<!tpu.dma_semaphore, #tpu.memory_space<semaphore_mem>>
      %dma_start3A_65 = arith.constant 0 : i32
      %dma_start3A_66 = arith.constant 0 : i32
      %dma_start3A_67 = tpu.memref_slice %arg3[%add3A, %dma_start3A_65, %dma_start3A_66] : memref<32x125x80xi32, #tpu.memory_space<hbm>> -> memref<1x65x80xi32, #tpu.memory_space<hbm>>
      %dma_start3A_68 = tpu.memref_squeeze %dma_start3A_67 : memref<1x65x80xi32, #tpu.memory_space<hbm>> -> memref<65x80xi32, #tpu.memory_space<hbm>>
      %dma_start3A_69 = arith.constant 0 : i32
      %dma_start3A_70 = arith.constant 0 : i32
      %dma_start3A_71 = tpu.memref_slice %arg3[%add3A, %dma_start3A_69, %dma_start3A_70] : memref<32x125x80xi32, #tpu.memory_space<hbm>> -> memref<1x65x80xi32, #tpu.memory_space<hbm>>
      %dma_start3A_72 = tpu.memref_squeeze %dma_start3A_71 : memref<1x65x80xi32, #tpu.memory_space<hbm>> -> memref<65x80xi32, #tpu.memory_space<hbm>>
      tpu.enqueue_dma source(%dma_start3A_72 : memref<65x80xi32, #tpu.memory_space<hbm>>) target(%arg10 : memref<65x80xi32, #tpu.memory_space<vmem>>) target_semaphore(%run_scoped3A : memref<!tpu.dma_semaphore, #tpu.memory_space<semaphore_mem>>)
      %dma_wait3A = arith.constant 0 : i32
      %dma_wait3A_73 = arith.constant 0 : i32
      %dma_wait3A_74 = tpu.memref_slice %arg3[%add3A, %dma_wait3A, %dma_wait3A_73] : memref<32x125x80xi32, #tpu.memory_space<hbm>> -> memref<1x65x80xi32, #tpu.memory_space<hbm>>
      %dma_wait3A_75 = tpu.memref_squeeze %dma_wait3A_74 : memref<1x65x80xi32, #tpu.memory_space<hbm>> -> memref<65x80xi32, #tpu.memory_space<hbm>>
      %dma_wait3A_76 = arith.constant 0 : i32
      %dma_wait3A_77 = arith.constant 0 : i32
      %dma_wait3A_78 = tpu.memref_slice %arg3[%add3A, %dma_wait3A_76, %dma_wait3A_77] : memref<32x125x80xi32, #tpu.memory_space<hbm>> -> memref<1x65x80xi32, #tpu.memory_space<hbm>>
      %dma_wait3A_79 = tpu.memref_squeeze %dma_wait3A_78 : memref<1x65x80xi32, #tpu.memory_space<hbm>> -> memref<65x80xi32, #tpu.memory_space<hbm>>
      tpu.wait_dma2 semaphore(%run_scoped3A : memref<!tpu.dma_semaphore, #tpu.memory_space<semaphore_mem>>) src(%dma_wait3A_79 : memref<65x80xi32, #tpu.memory_space<hbm>>) dst(%arg10 : memref<65x80xi32, #tpu.memory_space<vmem>>)
      tpu.yield
    }) : () -> ()
    "tpu.region"() ({
      %run_scoped3A = tpu.sem_alloc : memref<!tpu.dma_semaphore, #tpu.memory_space<semaphore_mem>>
      %dma_start3A_65 = arith.constant 0 : i32
      %dma_start3A_66 = arith.constant 0 : i32
      %dma_start3A_67 = tpu.memref_slice %arg4[%add3A, %dma_start3A_65, %dma_start3A_66] : memref<32x125x80xi32, #tpu.memory_space<hbm>> -> memref<1x65x80xi32, #tpu.memory_space<hbm>>
      %dma_start3A_68 = tpu.memref_squeeze %dma_start3A_67 : memref<1x65x80xi32, #tpu.memory_space<hbm>> -> memref<65x80xi32, #tpu.memory_space<hbm>>
      %dma_start3A_69 = arith.constant 0 : i32
      %dma_start3A_70 = arith.constant 0 : i32
      %dma_start3A_71 = tpu.memref_slice %arg4[%add3A, %dma_start3A_69, %dma_start3A_70] : memref<32x125x80xi32, #tpu.memory_space<hbm>> -> memref<1x65x80xi32, #tpu.memory_space<hbm>>
      %dma_start3A_72 = tpu.memref_squeeze %dma_start3A_71 : memref<1x65x80xi32, #tpu.memory_space<hbm>> -> memref<65x80xi32, #tpu.memory_space<hbm>>
      tpu.enqueue_dma source(%dma_start3A_72 : memref<65x80xi32, #tpu.memory_space<hbm>>) target(%arg11 : memref<65x80xi32, #tpu.memory_space<vmem>>) target_semaphore(%run_scoped3A : memref<!tpu.dma_semaphore, #tpu.memory_space<semaphore_mem>>)
      %dma_wait3A = arith.constant 0 : i32
      %dma_wait3A_73 = arith.constant 0 : i32
      %dma_wait3A_74 = tpu.memref_slice %arg4[%add3A, %dma_wait3A, %dma_wait3A_73] : memref<32x125x80xi32, #tpu.memory_space<hbm>> -> memref<1x65x80xi32, #tpu.memory_space<hbm>>
      %dma_wait3A_75 = tpu.memref_squeeze %dma_wait3A_74 : memref<1x65x80xi32, #tpu.memory_space<hbm>> -> memref<65x80xi32, #tpu.memory_space<hbm>>
      %dma_wait3A_76 = arith.constant 0 : i32
      %dma_wait3A_77 = arith.constant 0 : i32
      %dma_wait3A_78 = tpu.memref_slice %arg4[%add3A, %dma_wait3A_76, %dma_wait3A_77] : memref<32x125x80xi32, #tpu.memory_space<hbm>> -> memref<1x65x80xi32, #tpu.memory_space<hbm>>
      %dma_wait3A_79 = tpu.memref_squeeze %dma_wait3A_78 : memref<1x65x80xi32, #tpu.memory_space<hbm>> -> memref<65x80xi32, #tpu.memory_space<hbm>>
      tpu.wait_dma2 semaphore(%run_scoped3A : memref<!tpu.dma_semaphore, #tpu.memory_space<semaphore_mem>>) src(%dma_wait3A_79 : memref<65x80xi32, #tpu.memory_space<hbm>>) dst(%arg11 : memref<65x80xi32, #tpu.memory_space<vmem>>)
      tpu.yield
    }) : () -> ()
    %barrier3A = arith.constant 0 : index
    tpu.barrier barrier_id(%barrier3A)
    %dma_start3A = arith.constant 0 : i32
    %dma_start3A_3 = arith.constant 0 : i32
    %dma_start3A_4 = arith.constant 0 : i32
    %dma_start3A_5 = arith.constant 0 : i32
    %dma_start3A_6 = tpu.memref_slice %arg12[%dma_start3A_3, %dma_start3A_4, %dma_start3A_5] : memref<2x80x128xf32, #tpu.memory_space<vmem>> -> memref<1x80x128xf32, #tpu.memory_space<vmem>>
    %dma_start3A_7 = tpu.memref_squeeze %dma_start3A_6 : memref<1x80x128xf32, #tpu.memory_space<vmem>> -> memref<80x128xf32, #tpu.memory_space<vmem>>
    %dma_start3A_8 = arith.constant 0 : i32
    %dma_start3A_9 = tpu.memref_slice %arg10[%dma_start3A, %dma_start3A_8] : memref<65x80xi32, #tpu.memory_space<vmem>> -> memref<1x80xi32, #tpu.memory_space<vmem>>
    %dma_start3A_10 = tpu.memref_squeeze %dma_start3A_9 : memref<1x80xi32, #tpu.memory_space<vmem>> -> memref<80xi32, #tpu.memory_space<vmem>>
    %dma_start3A_11 = arith.constant 0 : i32
    %dma_start3A_12 = arith.constant 0 : i32
    %dma_start3A_13 = tpu.memref_slice %arg2[%dma_start3A_11, %dma_start3A_12] : memref<80000x128xf32, #tpu.memory_space<hbm>> -> memref<80000x128xf32, #tpu.memory_space<hbm>>
    tpu.enqueue_indirect_dma source(%dma_start3A_13 : memref<80000x128xf32, #tpu.memory_space<hbm>>) target(%dma_start3A_7 : memref<80x128xf32, #tpu.memory_space<vmem>>) offsets(%dma_start3A_10 : memref<80xi32, #tpu.memory_space<vmem>>) semaphore(%arg16 : memref<!tpu.dma_semaphore, #tpu.memory_space<semaphore_mem>>)
    %dma_start3A_14 = arith.constant 1 : i32
    %dma_start3A_15 = arith.constant 1 : i32
    %dma_start3A_16 = arith.constant 0 : i32
    %dma_start3A_17 = arith.constant 0 : i32
    %dma_start3A_18 = tpu.memref_slice %arg12[%dma_start3A_15, %dma_start3A_16, %dma_start3A_17] : memref<2x80x128xf32, #tpu.memory_space<vmem>> -> memref<1x80x128xf32, #tpu.memory_space<vmem>>
    %dma_start3A_19 = tpu.memref_squeeze %dma_start3A_18 : memref<1x80x128xf32, #tpu.memory_space<vmem>> -> memref<80x128xf32, #tpu.memory_space<vmem>>
    %dma_start3A_20 = arith.constant 0 : i32
    %dma_start3A_21 = tpu.memref_slice %arg10[%dma_start3A_14, %dma_start3A_20] : memref<65x80xi32, #tpu.memory_space<vmem>> -> memref<1x80xi32, #tpu.memory_space<vmem>>
    %dma_start3A_22 = tpu.memref_squeeze %dma_start3A_21 : memref<1x80xi32, #tpu.memory_space<vmem>> -> memref<80xi32, #tpu.memory_space<vmem>>
    %dma_start3A_23 = arith.constant 0 : i32
    %dma_start3A_24 = arith.constant 0 : i32
    %dma_start3A_25 = tpu.memref_slice %arg2[%dma_start3A_23, %dma_start3A_24] : memref<80000x128xf32, #tpu.memory_space<hbm>> -> memref<80000x128xf32, #tpu.memory_space<hbm>>
    tpu.enqueue_indirect_dma source(%dma_start3A_25 : memref<80000x128xf32, #tpu.memory_space<hbm>>) target(%dma_start3A_19 : memref<80x128xf32, #tpu.memory_space<vmem>>) offsets(%dma_start3A_22 : memref<80xi32, #tpu.memory_space<vmem>>) semaphore(%arg16 : memref<!tpu.dma_semaphore, #tpu.memory_space<semaphore_mem>>)
    %scan3A = arith.constant 0 : i32
    %scan3A_26 = arith.constant 33 : i32
    %scan3A_27 = arith.addi %scan3A, %scan3A_26 : i32
    %scan3A_28 = arith.constant 1 : i32
    scf.for %scan3A_65 = %scan3A to %scan3A_27 step %scan3A_28  : i32 {
      %mul3A_66 = arith.constant 2 : i32
      %mul3A_67 = arith.muli %scan3A_65, %mul3A_66 : i32
      %add3A_68 = arith.constant 0 : i32
      %add3A_69 = arith.addi %add3A_68, %mul3A_67 : i32
      %add3A_70 = arith.constant 0 : i32
      %add3A_71 = arith.addi %add3A_69, %add3A_70 : i32
      %lt3A_72 = arith.constant 65 : i32
      %lt3A_73 = arith.cmpi slt, %add3A_71, %lt3A_72 : i32
      %convert_element_type3A_74 = arith.extui %lt3A_73 : i1 to i32
      %cond3A_75 = arith.constant 0 : i32
      %cond3A_76 = arith.cmpi ne, %convert_element_type3A_74, %cond3A_75 : i32
      scf.if %cond3A_76 {
        %dma_wait3A = arith.constant 0 : i32
        %dma_wait3A_84 = arith.constant 0 : i32
        %dma_wait3A_85 = arith.constant 0 : i32
        %dma_wait3A_86 = tpu.memref_slice %arg12[%dma_wait3A, %dma_wait3A_84, %dma_wait3A_85] : memref<2x80x128xf32, #tpu.memory_space<vmem>> -> memref<1x80x128xf32, #tpu.memory_space<vmem>>
        %dma_wait3A_87 = tpu.memref_squeeze %dma_wait3A_86 : memref<1x80x128xf32, #tpu.memory_space<vmem>> -> memref<80x128xf32, #tpu.memory_space<vmem>>
        %dma_wait3A_88 = arith.constant 0 : i32
        %dma_wait3A_89 = tpu.memref_slice %arg10[%add3A_71, %dma_wait3A_88] : memref<65x80xi32, #tpu.memory_space<vmem>> -> memref<1x80xi32, #tpu.memory_space<vmem>>
        %dma_wait3A_90 = tpu.memref_squeeze %dma_wait3A_89 : memref<1x80xi32, #tpu.memory_space<vmem>> -> memref<80xi32, #tpu.memory_space<vmem>>
        %dma_wait3A_91 = arith.constant 0 : i32
        %dma_wait3A_92 = arith.constant 0 : i32
        %dma_wait3A_93 = tpu.memref_slice %arg2[%dma_wait3A_91, %dma_wait3A_92] : memref<80000x128xf32, #tpu.memory_space<hbm>> -> memref<80000x128xf32, #tpu.memory_space<hbm>>
        tpu.wait_indirect_dma semaphore(%arg16 : memref<!tpu.dma_semaphore, #tpu.memory_space<semaphore_mem>>) src(%dma_wait3A_93 : memref<80000x128xf32, #tpu.memory_space<hbm>>) dst(%dma_wait3A_87 : memref<80x128xf32, #tpu.memory_space<vmem>>)
        "tpu.region"() ({
          %run_scoped3A_101 = tpu.sem_alloc : memref<!tpu.dma_semaphore, #tpu.memory_space<semaphore_mem>>
          %dma_start3A_102 = arith.constant 0 : i32
          %dma_start3A_103 = tpu.memref_slice %arg11[%add3A_71, %dma_start3A_102] : memref<65x80xi32, #tpu.memory_space<vmem>> -> memref<1x80xi32, #tpu.memory_space<vmem>>
          %dma_start3A_104 = tpu.memref_squeeze %dma_start3A_103 : memref<1x80xi32, #tpu.memory_space<vmem>> -> memref<80xi32, #tpu.memory_space<vmem>>
          %dma_start3A_105 = arith.constant 0 : i32
          %dma_start3A_106 = arith.constant 0 : i32
          %dma_start3A_107 = tpu.memref_slice %arg15[%dma_start3A_105, %dma_start3A_106] : memref<10000x16xf32, #tpu.memory_space<vmem_shared>> -> memref<10000x16xf32, #tpu.memory_space<vmem_shared>>
          tpu.enqueue_indirect_dma source(%arg13 : memref<80x16xf32, #tpu.memory_space<vmem>>) target(%dma_start3A_107 : memref<10000x16xf32, #tpu.memory_space<vmem_shared>>) offsets(%dma_start3A_104 : memref<80xi32, #tpu.memory_space<vmem>>) semaphore(%run_scoped3A_101 : memref<!tpu.dma_semaphore, #tpu.memory_space<semaphore_mem>>) {add = true}
          %dma_wait3A_108 = arith.constant 0 : i32
          %dma_wait3A_109 = tpu.memref_slice %arg11[%add3A_71, %dma_wait3A_108] : memref<65x80xi32, #tpu.memory_space<vmem>> -> memref<1x80xi32, #tpu.memory_space<vmem>>
          %dma_wait3A_110 = tpu.memref_squeeze %dma_wait3A_109 : memref<1x80xi32, #tpu.memory_space<vmem>> -> memref<80xi32, #tpu.memory_space<vmem>>
          %dma_wait3A_111 = arith.constant 0 : i32
          %dma_wait3A_112 = arith.constant 0 : i32
          %dma_wait3A_113 = tpu.memref_slice %arg15[%dma_wait3A_111, %dma_wait3A_112] : memref<10000x16xf32, #tpu.memory_space<vmem_shared>> -> memref<10000x16xf32, #tpu.memory_space<vmem_shared>>
          tpu.wait_indirect_dma semaphore(%run_scoped3A_101 : memref<!tpu.dma_semaphore, #tpu.memory_space<semaphore_mem>>) src(%arg13 : memref<80x16xf32, #tpu.memory_space<vmem>>) dst(%dma_wait3A_113 : memref<10000x16xf32, #tpu.memory_space<vmem_shared>>)
          tpu.yield
        }) : () -> ()
        %run_scoped3A = arith.constant 0 : i32
        "tpu.region"() ({
          %run_scoped3A_101 = tpu.sem_alloc : memref<!tpu.dma_semaphore, #tpu.memory_space<semaphore_mem>>
          %dma_start3A_102 = arith.constant 0 : i32
          %dma_start3A_103 = arith.constant 0 : i32
          %dma_start3A_104 = tpu.memref_slice %arg12[%run_scoped3A, %dma_start3A_102, %dma_start3A_103] : memref<2x80x128xf32, #tpu.memory_space<vmem>> -> memref<1x80x128xf32, #tpu.memory_space<vmem>>
          %dma_start3A_105 = tpu.memref_squeeze %dma_start3A_104 : memref<1x80x128xf32, #tpu.memory_space<vmem>> -> memref<80x128xf32, #tpu.memory_space<vmem>>
          %dma_start3A_106 = arith.constant 0 : i32
          %dma_start3A_107 = tpu.memref_slice %arg11[%add3A_71, %dma_start3A_106] : memref<65x80xi32, #tpu.memory_space<vmem>> -> memref<1x80xi32, #tpu.memory_space<vmem>>
          %dma_start3A_108 = tpu.memref_squeeze %dma_start3A_107 : memref<1x80xi32, #tpu.memory_space<vmem>> -> memref<80xi32, #tpu.memory_space<vmem>>
          %dma_start3A_109 = arith.constant 0 : i32
          %dma_start3A_110 = arith.constant 0 : i32
          %dma_start3A_111 = tpu.memref_slice %arg14[%dma_start3A_109, %dma_start3A_110] : memref<10000x128xf32, #tpu.memory_space<vmem_shared>> -> memref<10000x128xf32, #tpu.memory_space<vmem_shared>>
          tpu.enqueue_indirect_dma source(%dma_start3A_105 : memref<80x128xf32, #tpu.memory_space<vmem>>) target(%dma_start3A_111 : memref<10000x128xf32, #tpu.memory_space<vmem_shared>>) offsets(%dma_start3A_108 : memref<80xi32, #tpu.memory_space<vmem>>) semaphore(%run_scoped3A_101 : memref<!tpu.dma_semaphore, #tpu.memory_space<semaphore_mem>>) {add = true}
          %dma_wait3A_112 = arith.constant 0 : i32
          %dma_wait3A_113 = arith.constant 0 : i32
          %dma_wait3A_114 = tpu.memref_slice %arg12[%run_scoped3A, %dma_wait3A_112, %dma_wait3A_113] : memref<2x80x128xf32, #tpu.memory_space<vmem>> -> memref<1x80x128xf32, #tpu.memory_space<vmem>>
          %dma_wait3A_115 = tpu.memref_squeeze %dma_wait3A_114 : memref<1x80x128xf32, #tpu.memory_space<vmem>> -> memref<80x128xf32, #tpu.memory_space<vmem>>
          %dma_wait3A_116 = arith.constant 0 : i32
          %dma_wait3A_117 = tpu.memref_slice %arg11[%add3A_71, %dma_wait3A_116] : memref<65x80xi32, #tpu.memory_space<vmem>> -> memref<1x80xi32, #tpu.memory_space<vmem>>
          %dma_wait3A_118 = tpu.memref_squeeze %dma_wait3A_117 : memref<1x80xi32, #tpu.memory_space<vmem>> -> memref<80xi32, #tpu.memory_space<vmem>>
          %dma_wait3A_119 = arith.constant 0 : i32
          %dma_wait3A_120 = arith.constant 0 : i32
          %dma_wait3A_121 = tpu.memref_slice %arg14[%dma_wait3A_119, %dma_wait3A_120] : memref<10000x128xf32, #tpu.memory_space<vmem_shared>> -> memref<10000x128xf32, #tpu.memory_space<vmem_shared>>
          tpu.wait_indirect_dma semaphore(%run_scoped3A_101 : memref<!tpu.dma_semaphore, #tpu.memory_space<semaphore_mem>>) src(%dma_wait3A_115 : memref<80x128xf32, #tpu.memory_space<vmem>>) dst(%dma_wait3A_121 : memref<10000x128xf32, #tpu.memory_space<vmem_shared>>)
          tpu.yield
        }) : () -> ()
        %add3A_94 = arith.constant 2 : i32
        %add3A_95 = arith.addi %add3A_71, %add3A_94 : i32
        %lt3A_96 = arith.constant 65 : i32
        %lt3A_97 = arith.cmpi slt, %add3A_95, %lt3A_96 : i32
        %convert_element_type3A_98 = arith.extui %lt3A_97 : i1 to i32
        %cond3A_99 = arith.constant 0 : i32
        %cond3A_100 = arith.cmpi ne, %convert_element_type3A_98, %cond3A_99 : i32
        scf.if %cond3A_100 {
          %add3A_101 = arith.constant 2 : i32
          %add3A_102 = arith.addi %add3A_71, %add3A_101 : i32
          %dma_start3A_103 = arith.constant 0 : i32
          %dma_start3A_104 = arith.constant 0 : i32
          %dma_start3A_105 = arith.constant 0 : i32
          %dma_start3A_106 = tpu.memref_slice %arg12[%dma_start3A_103, %dma_start3A_104, %dma_start3A_105] : memref<2x80x128xf32, #tpu.memory_space<vmem>> -> memref<1x80x128xf32, #tpu.memory_space<vmem>>
          %dma_start3A_107 = tpu.memref_squeeze %dma_start3A_106 : memref<1x80x128xf32, #tpu.memory_space<vmem>> -> memref<80x128xf32, #tpu.memory_space<vmem>>
          %dma_start3A_108 = arith.constant 0 : i32
          %dma_start3A_109 = tpu.memref_slice %arg10[%add3A_102, %dma_start3A_108] : memref<65x80xi32, #tpu.memory_space<vmem>> -> memref<1x80xi32, #tpu.memory_space<vmem>>
          %dma_start3A_110 = tpu.memref_squeeze %dma_start3A_109 : memref<1x80xi32, #tpu.memory_space<vmem>> -> memref<80xi32, #tpu.memory_space<vmem>>
          %dma_start3A_111 = arith.constant 0 : i32
          %dma_start3A_112 = arith.constant 0 : i32
          %dma_start3A_113 = tpu.memref_slice %arg2[%dma_start3A_111, %dma_start3A_112] : memref<80000x128xf32, #tpu.memory_space<hbm>> -> memref<80000x128xf32, #tpu.memory_space<hbm>>
          tpu.enqueue_indirect_dma source(%dma_start3A_113 : memref<80000x128xf32, #tpu.memory_space<hbm>>) target(%dma_start3A_107 : memref<80x128xf32, #tpu.memory_space<vmem>>) offsets(%dma_start3A_110 : memref<80xi32, #tpu.memory_space<vmem>>) semaphore(%arg16 : memref<!tpu.dma_semaphore, #tpu.memory_space<semaphore_mem>>)
        } else {
        }
      } else {
      }
      %add3A_77 = arith.constant 1 : i32
      %add3A_78 = arith.addi %add3A_69, %add3A_77 : i32
      %lt3A_79 = arith.constant 65 : i32
      %lt3A_80 = arith.cmpi slt, %add3A_78, %lt3A_79 : i32
      %convert_element_type3A_81 = arith.extui %lt3A_80 : i1 to i32
      %cond3A_82 = arith.constant 0 : i32
      %cond3A_83 = arith.cmpi ne, %convert_element_type3A_81, %cond3A_82 : i32
      scf.if %cond3A_83 {
        %dma_wait3A = arith.constant 1 : i32
        %dma_wait3A_84 = arith.constant 0 : i32
        %dma_wait3A_85 = arith.constant 0 : i32
        %dma_wait3A_86 = tpu.memref_slice %arg12[%dma_wait3A, %dma_wait3A_84, %dma_wait3A_85] : memref<2x80x128xf32, #tpu.memory_space<vmem>> -> memref<1x80x128xf32, #tpu.memory_space<vmem>>
        %dma_wait3A_87 = tpu.memref_squeeze %dma_wait3A_86 : memref<1x80x128xf32, #tpu.memory_space<vmem>> -> memref<80x128xf32, #tpu.memory_space<vmem>>
        %dma_wait3A_88 = arith.constant 0 : i32
        %dma_wait3A_89 = tpu.memref_slice %arg10[%add3A_78, %dma_wait3A_88] : memref<65x80xi32, #tpu.memory_space<vmem>> -> memref<1x80xi32, #tpu.memory_space<vmem>>
        %dma_wait3A_90 = tpu.memref_squeeze %dma_wait3A_89 : memref<1x80xi32, #tpu.memory_space<vmem>> -> memref<80xi32, #tpu.memory_space<vmem>>
        %dma_wait3A_91 = arith.constant 0 : i32
        %dma_wait3A_92 = arith.constant 0 : i32
        %dma_wait3A_93 = tpu.memref_slice %arg2[%dma_wait3A_91, %dma_wait3A_92] : memref<80000x128xf32, #tpu.memory_space<hbm>> -> memref<80000x128xf32, #tpu.memory_space<hbm>>
        tpu.wait_indirect_dma semaphore(%arg16 : memref<!tpu.dma_semaphore, #tpu.memory_space<semaphore_mem>>) src(%dma_wait3A_93 : memref<80000x128xf32, #tpu.memory_space<hbm>>) dst(%dma_wait3A_87 : memref<80x128xf32, #tpu.memory_space<vmem>>)
        "tpu.region"() ({
          %run_scoped3A_101 = tpu.sem_alloc : memref<!tpu.dma_semaphore, #tpu.memory_space<semaphore_mem>>
          %dma_start3A_102 = arith.constant 0 : i32
          %dma_start3A_103 = tpu.memref_slice %arg11[%add3A_78, %dma_start3A_102] : memref<65x80xi32, #tpu.memory_space<vmem>> -> memref<1x80xi32, #tpu.memory_space<vmem>>
          %dma_start3A_104 = tpu.memref_squeeze %dma_start3A_103 : memref<1x80xi32, #tpu.memory_space<vmem>> -> memref<80xi32, #tpu.memory_space<vmem>>
          %dma_start3A_105 = arith.constant 0 : i32
          %dma_start3A_106 = arith.constant 0 : i32
          %dma_start3A_107 = tpu.memref_slice %arg15[%dma_start3A_105, %dma_start3A_106] : memref<10000x16xf32, #tpu.memory_space<vmem_shared>> -> memref<10000x16xf32, #tpu.memory_space<vmem_shared>>
          tpu.enqueue_indirect_dma source(%arg13 : memref<80x16xf32, #tpu.memory_space<vmem>>) target(%dma_start3A_107 : memref<10000x16xf32, #tpu.memory_space<vmem_shared>>) offsets(%dma_start3A_104 : memref<80xi32, #tpu.memory_space<vmem>>) semaphore(%run_scoped3A_101 : memref<!tpu.dma_semaphore, #tpu.memory_space<semaphore_mem>>) {add = true}
          %dma_wait3A_108 = arith.constant 0 : i32
          %dma_wait3A_109 = tpu.memref_slice %arg11[%add3A_78, %dma_wait3A_108] : memref<65x80xi32, #tpu.memory_space<vmem>> -> memref<1x80xi32, #tpu.memory_space<vmem>>
          %dma_wait3A_110 = tpu.memref_squeeze %dma_wait3A_109 : memref<1x80xi32, #tpu.memory_space<vmem>> -> memref<80xi32, #tpu.memory_space<vmem>>
          %dma_wait3A_111 = arith.constant 0 : i32
          %dma_wait3A_112 = arith.constant 0 : i32
          %dma_wait3A_113 = tpu.memref_slice %arg15[%dma_wait3A_111, %dma_wait3A_112] : memref<10000x16xf32, #tpu.memory_space<vmem_shared>> -> memref<10000x16xf32, #tpu.memory_space<vmem_shared>>
          tpu.wait_indirect_dma semaphore(%run_scoped3A_101 : memref<!tpu.dma_semaphore, #tpu.memory_space<semaphore_mem>>) src(%arg13 : memref<80x16xf32, #tpu.memory_space<vmem>>) dst(%dma_wait3A_113 : memref<10000x16xf32, #tpu.memory_space<vmem_shared>>)
          tpu.yield
        }) : () -> ()
        %run_scoped3A = arith.constant 1 : i32
        "tpu.region"() ({
          %run_scoped3A_101 = tpu.sem_alloc : memref<!tpu.dma_semaphore, #tpu.memory_space<semaphore_mem>>
          %dma_start3A_102 = arith.constant 0 : i32
          %dma_start3A_103 = arith.constant 0 : i32
          %dma_start3A_104 = tpu.memref_slice %arg12[%run_scoped3A, %dma_start3A_102, %dma_start3A_103] : memref<2x80x128xf32, #tpu.memory_space<vmem>> -> memref<1x80x128xf32, #tpu.memory_space<vmem>>
          %dma_start3A_105 = tpu.memref_squeeze %dma_start3A_104 : memref<1x80x128xf32, #tpu.memory_space<vmem>> -> memref<80x128xf32, #tpu.memory_space<vmem>>
          %dma_start3A_106 = arith.constant 0 : i32
          %dma_start3A_107 = tpu.memref_slice %arg11[%add3A_78, %dma_start3A_106] : memref<65x80xi32, #tpu.memory_space<vmem>> -> memref<1x80xi32, #tpu.memory_space<vmem>>
          %dma_start3A_108 = tpu.memref_squeeze %dma_start3A_107 : memref<1x80xi32, #tpu.memory_space<vmem>> -> memref<80xi32, #tpu.memory_space<vmem>>
          %dma_start3A_109 = arith.constant 0 : i32
          %dma_start3A_110 = arith.constant 0 : i32
          %dma_start3A_111 = tpu.memref_slice %arg14[%dma_start3A_109, %dma_start3A_110] : memref<10000x128xf32, #tpu.memory_space<vmem_shared>> -> memref<10000x128xf32, #tpu.memory_space<vmem_shared>>
          tpu.enqueue_indirect_dma source(%dma_start3A_105 : memref<80x128xf32, #tpu.memory_space<vmem>>) target(%dma_start3A_111 : memref<10000x128xf32, #tpu.memory_space<vmem_shared>>) offsets(%dma_start3A_108 : memref<80xi32, #tpu.memory_space<vmem>>) semaphore(%run_scoped3A_101 : memref<!tpu.dma_semaphore, #tpu.memory_space<semaphore_mem>>) {add = true}
          %dma_wait3A_112 = arith.constant 0 : i32
          %dma_wait3A_113 = arith.constant 0 : i32
          %dma_wait3A_114 = tpu.memref_slice %arg12[%run_scoped3A, %dma_wait3A_112, %dma_wait3A_113] : memref<2x80x128xf32, #tpu.memory_space<vmem>> -> memref<1x80x128xf32, #tpu.memory_space<vmem>>
          %dma_wait3A_115 = tpu.memref_squeeze %dma_wait3A_114 : memref<1x80x128xf32, #tpu.memory_space<vmem>> -> memref<80x128xf32, #tpu.memory_space<vmem>>
          %dma_wait3A_116 = arith.constant 0 : i32
          %dma_wait3A_117 = tpu.memref_slice %arg11[%add3A_78, %dma_wait3A_116] : memref<65x80xi32, #tpu.memory_space<vmem>> -> memref<1x80xi32, #tpu.memory_space<vmem>>
          %dma_wait3A_118 = tpu.memref_squeeze %dma_wait3A_117 : memref<1x80xi32, #tpu.memory_space<vmem>> -> memref<80xi32, #tpu.memory_space<vmem>>
          %dma_wait3A_119 = arith.constant 0 : i32
          %dma_wait3A_120 = arith.constant 0 : i32
          %dma_wait3A_121 = tpu.memref_slice %arg14[%dma_wait3A_119, %dma_wait3A_120] : memref<10000x128xf32, #tpu.memory_space<vmem_shared>> -> memref<10000x128xf32, #tpu.memory_space<vmem_shared>>
          tpu.wait_indirect_dma semaphore(%run_scoped3A_101 : memref<!tpu.dma_semaphore, #tpu.memory_space<semaphore_mem>>) src(%dma_wait3A_115 : memref<80x128xf32, #tpu.memory_space<vmem>>) dst(%dma_wait3A_121 : memref<10000x128xf32, #tpu.memory_space<vmem_shared>>)
          tpu.yield
        }) : () -> ()
        %add3A_94 = arith.constant 2 : i32
        %add3A_95 = arith.addi %add3A_78, %add3A_94 : i32
        %lt3A_96 = arith.constant 65 : i32
        %lt3A_97 = arith.cmpi slt, %add3A_95, %lt3A_96 : i32
        %convert_element_type3A_98 = arith.extui %lt3A_97 : i1 to i32
        %cond3A_99 = arith.constant 0 : i32
        %cond3A_100 = arith.cmpi ne, %convert_element_type3A_98, %cond3A_99 : i32
        scf.if %cond3A_100 {
          %add3A_101 = arith.constant 2 : i32
          %add3A_102 = arith.addi %add3A_78, %add3A_101 : i32
          %dma_start3A_103 = arith.constant 1 : i32
          %dma_start3A_104 = arith.constant 0 : i32
          %dma_start3A_105 = arith.constant 0 : i32
          %dma_start3A_106 = tpu.memref_slice %arg12[%dma_start3A_103, %dma_start3A_104, %dma_start3A_105] : memref<2x80x128xf32, #tpu.memory_space<vmem>> -> memref<1x80x128xf32, #tpu.memory_space<vmem>>
          %dma_start3A_107 = tpu.memref_squeeze %dma_start3A_106 : memref<1x80x128xf32, #tpu.memory_space<vmem>> -> memref<80x128xf32, #tpu.memory_space<vmem>>
          %dma_start3A_108 = arith.constant 0 : i32
          %dma_start3A_109 = tpu.memref_slice %arg10[%add3A_102, %dma_start3A_108] : memref<65x80xi32, #tpu.memory_space<vmem>> -> memref<1x80xi32, #tpu.memory_space<vmem>>
          %dma_start3A_110 = tpu.memref_squeeze %dma_start3A_109 : memref<1x80xi32, #tpu.memory_space<vmem>> -> memref<80xi32, #tpu.memory_space<vmem>>
          %dma_start3A_111 = arith.constant 0 : i32
          %dma_start3A_112 = arith.constant 0 : i32
          %dma_start3A_113 = tpu.memref_slice %arg2[%dma_start3A_111, %dma_start3A_112] : memref<80000x128xf32, #tpu.memory_space<hbm>> -> memref<80000x128xf32, #tpu.memory_space<hbm>>
          tpu.enqueue_indirect_dma source(%dma_start3A_113 : memref<80000x128xf32, #tpu.memory_space<hbm>>) target(%dma_start3A_107 : memref<80x128xf32, #tpu.memory_space<vmem>>) offsets(%dma_start3A_110 : memref<80xi32, #tpu.memory_space<vmem>>) semaphore(%arg16 : memref<!tpu.dma_semaphore, #tpu.memory_space<semaphore_mem>>)
        } else {
        }
      } else {
      }
    }
    %scan3A_29 = arith.constant 33 : i32
    "tpu.region"() ({
      %run_scoped3A = tpu.sem_alloc : memref<!tpu.dma_semaphore, #tpu.memory_space<semaphore_mem>>
      %dma_start3A_65 = arith.constant 0 : i32
      %dma_start3A_66 = arith.constant 0 : i32
      %dma_start3A_67 = tpu.memref_slice %arg10[%dma_start3A_65, %dma_start3A_66] : memref<65x80xi32, #tpu.memory_space<vmem>> -> memref<60x80xi32, #tpu.memory_space<vmem>>
      %dma_start3A_68 = arith.constant 65 : i32
      %dma_start3A_69 = arith.constant 0 : i32
      %dma_start3A_70 = tpu.memref_slice %arg3[%add3A, %dma_start3A_68, %dma_start3A_69] : memref<32x125x80xi32, #tpu.memory_space<hbm>> -> memref<1x60x80xi32, #tpu.memory_space<hbm>>
      %dma_start3A_71 = tpu.memref_squeeze %dma_start3A_70 : memref<1x60x80xi32, #tpu.memory_space<hbm>> -> memref<60x80xi32, #tpu.memory_space<hbm>>
      %dma_start3A_72 = arith.constant 0 : i32
      %dma_start3A_73 = arith.constant 0 : i32
      %dma_start3A_74 = tpu.memref_slice %arg10[%dma_start3A_72, %dma_start3A_73] : memref<65x80xi32, #tpu.memory_space<vmem>> -> memref<60x80xi32, #tpu.memory_space<vmem>>
      %dma_start3A_75 = arith.constant 65 : i32
      %dma_start3A_76 = arith.constant 0 : i32
      %dma_start3A_77 = tpu.memref_slice %arg3[%add3A, %dma_start3A_75, %dma_start3A_76] : memref<32x125x80xi32, #tpu.memory_space<hbm>> -> memref<1x60x80xi32, #tpu.memory_space<hbm>>
      %dma_start3A_78 = tpu.memref_squeeze %dma_start3A_77 : memref<1x60x80xi32, #tpu.memory_space<hbm>> -> memref<60x80xi32, #tpu.memory_space<hbm>>
      tpu.enqueue_dma source(%dma_start3A_78 : memref<60x80xi32, #tpu.memory_space<hbm>>) target(%dma_start3A_74 : memref<60x80xi32, #tpu.memory_space<vmem>>) target_semaphore(%run_scoped3A : memref<!tpu.dma_semaphore, #tpu.memory_space<semaphore_mem>>)
      %dma_wait3A = arith.constant 0 : i32
      %dma_wait3A_79 = arith.constant 0 : i32
      %dma_wait3A_80 = tpu.memref_slice %arg10[%dma_wait3A, %dma_wait3A_79] : memref<65x80xi32, #tpu.memory_space<vmem>> -> memref<60x80xi32, #tpu.memory_space<vmem>>
      %dma_wait3A_81 = arith.constant 65 : i32
      %dma_wait3A_82 = arith.constant 0 : i32
      %dma_wait3A_83 = tpu.memref_slice %arg3[%add3A, %dma_wait3A_81, %dma_wait3A_82] : memref<32x125x80xi32, #tpu.memory_space<hbm>> -> memref<1x60x80xi32, #tpu.memory_space<hbm>>
      %dma_wait3A_84 = tpu.memref_squeeze %dma_wait3A_83 : memref<1x60x80xi32, #tpu.memory_space<hbm>> -> memref<60x80xi32, #tpu.memory_space<hbm>>
      %dma_wait3A_85 = arith.constant 0 : i32
      %dma_wait3A_86 = arith.constant 0 : i32
      %dma_wait3A_87 = tpu.memref_slice %arg10[%dma_wait3A_85, %dma_wait3A_86] : memref<65x80xi32, #tpu.memory_space<vmem>> -> memref<60x80xi32, #tpu.memory_space<vmem>>
      %dma_wait3A_88 = arith.constant 65 : i32
      %dma_wait3A_89 = arith.constant 0 : i32
      %dma_wait3A_90 = tpu.memref_slice %arg3[%add3A, %dma_wait3A_88, %dma_wait3A_89] : memref<32x125x80xi32, #tpu.memory_space<hbm>> -> memref<1x60x80xi32, #tpu.memory_space<hbm>>
      %dma_wait3A_91 = tpu.memref_squeeze %dma_wait3A_90 : memref<1x60x80xi32, #tpu.memory_space<hbm>> -> memref<60x80xi32, #tpu.memory_space<hbm>>
      tpu.wait_dma2 semaphore(%run_scoped3A : memref<!tpu.dma_semaphore, #tpu.memory_space<semaphore_mem>>) src(%dma_wait3A_91 : memref<60x80xi32, #tpu.memory_space<hbm>>) dst(%dma_wait3A_87 : memref<60x80xi32, #tpu.memory_space<vmem>>)
      tpu.yield
    }) : () -> ()
    "tpu.region"() ({
      %run_scoped3A = tpu.sem_alloc : memref<!tpu.dma_semaphore, #tpu.memory_space<semaphore_mem>>
      %dma_start3A_65 = arith.constant 0 : i32
      %dma_start3A_66 = arith.constant 0 : i32
      %dma_start3A_67 = tpu.memref_slice %arg11[%dma_start3A_65, %dma_start3A_66] : memref<65x80xi32, #tpu.memory_space<vmem>> -> memref<60x80xi32, #tpu.memory_space<vmem>>
      %dma_start3A_68 = arith.constant 65 : i32
      %dma_start3A_69 = arith.constant 0 : i32
      %dma_start3A_70 = tpu.memref_slice %arg4[%add3A, %dma_start3A_68, %dma_start3A_69] : memref<32x125x80xi32, #tpu.memory_space<hbm>> -> memref<1x60x80xi32, #tpu.memory_space<hbm>>
      %dma_start3A_71 = tpu.memref_squeeze %dma_start3A_70 : memref<1x60x80xi32, #tpu.memory_space<hbm>> -> memref<60x80xi32, #tpu.memory_space<hbm>>
      %dma_start3A_72 = arith.constant 0 : i32
      %dma_start3A_73 = arith.constant 0 : i32
      %dma_start3A_74 = tpu.memref_slice %arg11[%dma_start3A_72, %dma_start3A_73] : memref<65x80xi32, #tpu.memory_space<vmem>> -> memref<60x80xi32, #tpu.memory_space<vmem>>
      %dma_start3A_75 = arith.constant 65 : i32
      %dma_start3A_76 = arith.constant 0 : i32
      %dma_start3A_77 = tpu.memref_slice %arg4[%add3A, %dma_start3A_75, %dma_start3A_76] : memref<32x125x80xi32, #tpu.memory_space<hbm>> -> memref<1x60x80xi32, #tpu.memory_space<hbm>>
      %dma_start3A_78 = tpu.memref_squeeze %dma_start3A_77 : memref<1x60x80xi32, #tpu.memory_space<hbm>> -> memref<60x80xi32, #tpu.memory_space<hbm>>
      tpu.enqueue_dma source(%dma_start3A_78 : memref<60x80xi32, #tpu.memory_space<hbm>>) target(%dma_start3A_74 : memref<60x80xi32, #tpu.memory_space<vmem>>) target_semaphore(%run_scoped3A : memref<!tpu.dma_semaphore, #tpu.memory_space<semaphore_mem>>)
      %dma_wait3A = arith.constant 0 : i32
      %dma_wait3A_79 = arith.constant 0 : i32
      %dma_wait3A_80 = tpu.memref_slice %arg11[%dma_wait3A, %dma_wait3A_79] : memref<65x80xi32, #tpu.memory_space<vmem>> -> memref<60x80xi32, #tpu.memory_space<vmem>>
      %dma_wait3A_81 = arith.constant 65 : i32
      %dma_wait3A_82 = arith.constant 0 : i32
      %dma_wait3A_83 = tpu.memref_slice %arg4[%add3A, %dma_wait3A_81, %dma_wait3A_82] : memref<32x125x80xi32, #tpu.memory_space<hbm>> -> memref<1x60x80xi32, #tpu.memory_space<hbm>>
      %dma_wait3A_84 = tpu.memref_squeeze %dma_wait3A_83 : memref<1x60x80xi32, #tpu.memory_space<hbm>> -> memref<60x80xi32, #tpu.memory_space<hbm>>
      %dma_wait3A_85 = arith.constant 0 : i32
      %dma_wait3A_86 = arith.constant 0 : i32
      %dma_wait3A_87 = tpu.memref_slice %arg11[%dma_wait3A_85, %dma_wait3A_86] : memref<65x80xi32, #tpu.memory_space<vmem>> -> memref<60x80xi32, #tpu.memory_space<vmem>>
      %dma_wait3A_88 = arith.constant 65 : i32
      %dma_wait3A_89 = arith.constant 0 : i32
      %dma_wait3A_90 = tpu.memref_slice %arg4[%add3A, %dma_wait3A_88, %dma_wait3A_89] : memref<32x125x80xi32, #tpu.memory_space<hbm>> -> memref<1x60x80xi32, #tpu.memory_space<hbm>>
      %dma_wait3A_91 = tpu.memref_squeeze %dma_wait3A_90 : memref<1x60x80xi32, #tpu.memory_space<hbm>> -> memref<60x80xi32, #tpu.memory_space<hbm>>
      tpu.wait_dma2 semaphore(%run_scoped3A : memref<!tpu.dma_semaphore, #tpu.memory_space<semaphore_mem>>) src(%dma_wait3A_91 : memref<60x80xi32, #tpu.memory_space<hbm>>) dst(%dma_wait3A_87 : memref<60x80xi32, #tpu.memory_space<vmem>>)
      tpu.yield
    }) : () -> ()
    %dma_start3A_30 = arith.constant 0 : i32
    %dma_start3A_31 = arith.constant 0 : i32
    %dma_start3A_32 = arith.constant 0 : i32
    %dma_start3A_33 = arith.constant 0 : i32
    %dma_start3A_34 = tpu.memref_slice %arg12[%dma_start3A_31, %dma_start3A_32, %dma_start3A_33] : memref<2x80x128xf32, #tpu.memory_space<vmem>> -> memref<1x80x128xf32, #tpu.memory_space<vmem>>
    %dma_start3A_35 = tpu.memref_squeeze %dma_start3A_34 : memref<1x80x128xf32, #tpu.memory_space<vmem>> -> memref<80x128xf32, #tpu.memory_space<vmem>>
    %dma_start3A_36 = arith.constant 0 : i32
    %dma_start3A_37 = tpu.memref_slice %arg10[%dma_start3A_30, %dma_start3A_36] : memref<65x80xi32, #tpu.memory_space<vmem>> -> memref<1x80xi32, #tpu.memory_space<vmem>>
    %dma_start3A_38 = tpu.memref_squeeze %dma_start3A_37 : memref<1x80xi32, #tpu.memory_space<vmem>> -> memref<80xi32, #tpu.memory_space<vmem>>
    %dma_start3A_39 = arith.constant 0 : i32
    %dma_start3A_40 = arith.constant 0 : i32
    %dma_start3A_41 = tpu.memref_slice %arg2[%dma_start3A_39, %dma_start3A_40] : memref<80000x128xf32, #tpu.memory_space<hbm>> -> memref<80000x128xf32, #tpu.memory_space<hbm>>
    tpu.enqueue_indirect_dma source(%dma_start3A_41 : memref<80000x128xf32, #tpu.memory_space<hbm>>) target(%dma_start3A_35 : memref<80x128xf32, #tpu.memory_space<vmem>>) offsets(%dma_start3A_38 : memref<80xi32, #tpu.memory_space<vmem>>) semaphore(%arg16 : memref<!tpu.dma_semaphore, #tpu.memory_space<semaphore_mem>>)
    %dma_start3A_42 = arith.constant 1 : i32
    %dma_start3A_43 = arith.constant 1 : i32
    %dma_start3A_44 = arith.constant 0 : i32
    %dma_start3A_45 = arith.constant 0 : i32
    %dma_start3A_46 = tpu.memref_slice %arg12[%dma_start3A_43, %dma_start3A_44, %dma_start3A_45] : memref<2x80x128xf32, #tpu.memory_space<vmem>> -> memref<1x80x128xf32, #tpu.memory_space<vmem>>
    %dma_start3A_47 = tpu.memref_squeeze %dma_start3A_46 : memref<1x80x128xf32, #tpu.memory_space<vmem>> -> memref<80x128xf32, #tpu.memory_space<vmem>>
    %dma_start3A_48 = arith.constant 0 : i32
    %dma_start3A_49 = tpu.memref_slice %arg10[%dma_start3A_42, %dma_start3A_48] : memref<65x80xi32, #tpu.memory_space<vmem>> -> memref<1x80xi32, #tpu.memory_space<vmem>>
    %dma_start3A_50 = tpu.memref_squeeze %dma_start3A_49 : memref<1x80xi32, #tpu.memory_space<vmem>> -> memref<80xi32, #tpu.memory_space<vmem>>
    %dma_start3A_51 = arith.constant 0 : i32
    %dma_start3A_52 = arith.constant 0 : i32
    %dma_start3A_53 = tpu.memref_slice %arg2[%dma_start3A_51, %dma_start3A_52] : memref<80000x128xf32, #tpu.memory_space<hbm>> -> memref<80000x128xf32, #tpu.memory_space<hbm>>
    tpu.enqueue_indirect_dma source(%dma_start3A_53 : memref<80000x128xf32, #tpu.memory_space<hbm>>) target(%dma_start3A_47 : memref<80x128xf32, #tpu.memory_space<vmem>>) offsets(%dma_start3A_50 : memref<80xi32, #tpu.memory_space<vmem>>) semaphore(%arg16 : memref<!tpu.dma_semaphore, #tpu.memory_space<semaphore_mem>>)
    %scan3A_54 = arith.constant 0 : i32
    %scan3A_55 = arith.constant 30 : i32
    %scan3A_56 = arith.addi %scan3A_54, %scan3A_55 : i32
    %scan3A_57 = arith.constant 1 : i32
    scf.for %scan3A_65 = %scan3A_54 to %scan3A_56 step %scan3A_57  : i32 {
      %mul3A_66 = arith.constant 2 : i32
      %mul3A_67 = arith.muli %scan3A_65, %mul3A_66 : i32
      %add3A_68 = arith.constant 0 : i32
      %add3A_69 = arith.addi %add3A_68, %mul3A_67 : i32
      %add3A_70 = arith.constant 0 : i32
      %add3A_71 = arith.addi %add3A_69, %add3A_70 : i32
      %lt3A_72 = arith.constant 60 : i32
      %lt3A_73 = arith.cmpi slt, %add3A_71, %lt3A_72 : i32
      %convert_element_type3A_74 = arith.extui %lt3A_73 : i1 to i32
      %cond3A_75 = arith.constant 0 : i32
      %cond3A_76 = arith.cmpi ne, %convert_element_type3A_74, %cond3A_75 : i32
      scf.if %cond3A_76 {
        %dma_wait3A = arith.constant 0 : i32
        %dma_wait3A_84 = arith.constant 0 : i32
        %dma_wait3A_85 = arith.constant 0 : i32
        %dma_wait3A_86 = tpu.memref_slice %arg12[%dma_wait3A, %dma_wait3A_84, %dma_wait3A_85] : memref<2x80x128xf32, #tpu.memory_space<vmem>> -> memref<1x80x128xf32, #tpu.memory_space<vmem>>
        %dma_wait3A_87 = tpu.memref_squeeze %dma_wait3A_86 : memref<1x80x128xf32, #tpu.memory_space<vmem>> -> memref<80x128xf32, #tpu.memory_space<vmem>>
        %dma_wait3A_88 = arith.constant 0 : i32
        %dma_wait3A_89 = tpu.memref_slice %arg10[%add3A_71, %dma_wait3A_88] : memref<65x80xi32, #tpu.memory_space<vmem>> -> memref<1x80xi32, #tpu.memory_space<vmem>>
        %dma_wait3A_90 = tpu.memref_squeeze %dma_wait3A_89 : memref<1x80xi32, #tpu.memory_space<vmem>> -> memref<80xi32, #tpu.memory_space<vmem>>
        %dma_wait3A_91 = arith.constant 0 : i32
        %dma_wait3A_92 = arith.constant 0 : i32
        %dma_wait3A_93 = tpu.memref_slice %arg2[%dma_wait3A_91, %dma_wait3A_92] : memref<80000x128xf32, #tpu.memory_space<hbm>> -> memref<80000x128xf32, #tpu.memory_space<hbm>>
        tpu.wait_indirect_dma semaphore(%arg16 : memref<!tpu.dma_semaphore, #tpu.memory_space<semaphore_mem>>) src(%dma_wait3A_93 : memref<80000x128xf32, #tpu.memory_space<hbm>>) dst(%dma_wait3A_87 : memref<80x128xf32, #tpu.memory_space<vmem>>)
        "tpu.region"() ({
          %run_scoped3A_101 = tpu.sem_alloc : memref<!tpu.dma_semaphore, #tpu.memory_space<semaphore_mem>>
          %dma_start3A_102 = arith.constant 0 : i32
          %dma_start3A_103 = tpu.memref_slice %arg11[%add3A_71, %dma_start3A_102] : memref<65x80xi32, #tpu.memory_space<vmem>> -> memref<1x80xi32, #tpu.memory_space<vmem>>
          %dma_start3A_104 = tpu.memref_squeeze %dma_start3A_103 : memref<1x80xi32, #tpu.memory_space<vmem>> -> memref<80xi32, #tpu.memory_space<vmem>>
          %dma_start3A_105 = arith.constant 0 : i32
          %dma_start3A_106 = arith.constant 0 : i32
          %dma_start3A_107 = tpu.memref_slice %arg15[%dma_start3A_105, %dma_start3A_106] : memref<10000x16xf32, #tpu.memory_space<vmem_shared>> -> memref<10000x16xf32, #tpu.memory_space<vmem_shared>>
          tpu.enqueue_indirect_dma source(%arg13 : memref<80x16xf32, #tpu.memory_space<vmem>>) target(%dma_start3A_107 : memref<10000x16xf32, #tpu.memory_space<vmem_shared>>) offsets(%dma_start3A_104 : memref<80xi32, #tpu.memory_space<vmem>>) semaphore(%run_scoped3A_101 : memref<!tpu.dma_semaphore, #tpu.memory_space<semaphore_mem>>) {add = true}
          %dma_wait3A_108 = arith.constant 0 : i32
          %dma_wait3A_109 = tpu.memref_slice %arg11[%add3A_71, %dma_wait3A_108] : memref<65x80xi32, #tpu.memory_space<vmem>> -> memref<1x80xi32, #tpu.memory_space<vmem>>
          %dma_wait3A_110 = tpu.memref_squeeze %dma_wait3A_109 : memref<1x80xi32, #tpu.memory_space<vmem>> -> memref<80xi32, #tpu.memory_space<vmem>>
          %dma_wait3A_111 = arith.constant 0 : i32
          %dma_wait3A_112 = arith.constant 0 : i32
          %dma_wait3A_113 = tpu.memref_slice %arg15[%dma_wait3A_111, %dma_wait3A_112] : memref<10000x16xf32, #tpu.memory_space<vmem_shared>> -> memref<10000x16xf32, #tpu.memory_space<vmem_shared>>
          tpu.wait_indirect_dma semaphore(%run_scoped3A_101 : memref<!tpu.dma_semaphore, #tpu.memory_space<semaphore_mem>>) src(%arg13 : memref<80x16xf32, #tpu.memory_space<vmem>>) dst(%dma_wait3A_113 : memref<10000x16xf32, #tpu.memory_space<vmem_shared>>)
          tpu.yield
        }) : () -> ()
        %run_scoped3A = arith.constant 0 : i32
        "tpu.region"() ({
          %run_scoped3A_101 = tpu.sem_alloc : memref<!tpu.dma_semaphore, #tpu.memory_space<semaphore_mem>>
          %dma_start3A_102 = arith.constant 0 : i32
          %dma_start3A_103 = arith.constant 0 : i32
          %dma_start3A_104 = tpu.memref_slice %arg12[%run_scoped3A, %dma_start3A_102, %dma_start3A_103] : memref<2x80x128xf32, #tpu.memory_space<vmem>> -> memref<1x80x128xf32, #tpu.memory_space<vmem>>
          %dma_start3A_105 = tpu.memref_squeeze %dma_start3A_104 : memref<1x80x128xf32, #tpu.memory_space<vmem>> -> memref<80x128xf32, #tpu.memory_space<vmem>>
          %dma_start3A_106 = arith.constant 0 : i32
          %dma_start3A_107 = tpu.memref_slice %arg11[%add3A_71, %dma_start3A_106] : memref<65x80xi32, #tpu.memory_space<vmem>> -> memref<1x80xi32, #tpu.memory_space<vmem>>
          %dma_start3A_108 = tpu.memref_squeeze %dma_start3A_107 : memref<1x80xi32, #tpu.memory_space<vmem>> -> memref<80xi32, #tpu.memory_space<vmem>>
          %dma_start3A_109 = arith.constant 0 : i32
          %dma_start3A_110 = arith.constant 0 : i32
          %dma_start3A_111 = tpu.memref_slice %arg14[%dma_start3A_109, %dma_start3A_110] : memref<10000x128xf32, #tpu.memory_space<vmem_shared>> -> memref<10000x128xf32, #tpu.memory_space<vmem_shared>>
          tpu.enqueue_indirect_dma source(%dma_start3A_105 : memref<80x128xf32, #tpu.memory_space<vmem>>) target(%dma_start3A_111 : memref<10000x128xf32, #tpu.memory_space<vmem_shared>>) offsets(%dma_start3A_108 : memref<80xi32, #tpu.memory_space<vmem>>) semaphore(%run_scoped3A_101 : memref<!tpu.dma_semaphore, #tpu.memory_space<semaphore_mem>>) {add = true}
          %dma_wait3A_112 = arith.constant 0 : i32
          %dma_wait3A_113 = arith.constant 0 : i32
          %dma_wait3A_114 = tpu.memref_slice %arg12[%run_scoped3A, %dma_wait3A_112, %dma_wait3A_113] : memref<2x80x128xf32, #tpu.memory_space<vmem>> -> memref<1x80x128xf32, #tpu.memory_space<vmem>>
          %dma_wait3A_115 = tpu.memref_squeeze %dma_wait3A_114 : memref<1x80x128xf32, #tpu.memory_space<vmem>> -> memref<80x128xf32, #tpu.memory_space<vmem>>
          %dma_wait3A_116 = arith.constant 0 : i32
          %dma_wait3A_117 = tpu.memref_slice %arg11[%add3A_71, %dma_wait3A_116] : memref<65x80xi32, #tpu.memory_space<vmem>> -> memref<1x80xi32, #tpu.memory_space<vmem>>
          %dma_wait3A_118 = tpu.memref_squeeze %dma_wait3A_117 : memref<1x80xi32, #tpu.memory_space<vmem>> -> memref<80xi32, #tpu.memory_space<vmem>>
          %dma_wait3A_119 = arith.constant 0 : i32
          %dma_wait3A_120 = arith.constant 0 : i32
          %dma_wait3A_121 = tpu.memref_slice %arg14[%dma_wait3A_119, %dma_wait3A_120] : memref<10000x128xf32, #tpu.memory_space<vmem_shared>> -> memref<10000x128xf32, #tpu.memory_space<vmem_shared>>
          tpu.wait_indirect_dma semaphore(%run_scoped3A_101 : memref<!tpu.dma_semaphore, #tpu.memory_space<semaphore_mem>>) src(%dma_wait3A_115 : memref<80x128xf32, #tpu.memory_space<vmem>>) dst(%dma_wait3A_121 : memref<10000x128xf32, #tpu.memory_space<vmem_shared>>)
          tpu.yield
        }) : () -> ()
        %add3A_94 = arith.constant 2 : i32
        %add3A_95 = arith.addi %add3A_71, %add3A_94 : i32
        %lt3A_96 = arith.constant 60 : i32
        %lt3A_97 = arith.cmpi slt, %add3A_95, %lt3A_96 : i32
        %convert_element_type3A_98 = arith.extui %lt3A_97 : i1 to i32
        %cond3A_99 = arith.constant 0 : i32
        %cond3A_100 = arith.cmpi ne, %convert_element_type3A_98, %cond3A_99 : i32
        scf.if %cond3A_100 {
          %add3A_101 = arith.constant 2 : i32
          %add3A_102 = arith.addi %add3A_71, %add3A_101 : i32
          %dma_start3A_103 = arith.constant 0 : i32
          %dma_start3A_104 = arith.constant 0 : i32
          %dma_start3A_105 = arith.constant 0 : i32
          %dma_start3A_106 = tpu.memref_slice %arg12[%dma_start3A_103, %dma_start3A_104, %dma_start3A_105] : memref<2x80x128xf32, #tpu.memory_space<vmem>> -> memref<1x80x128xf32, #tpu.memory_space<vmem>>
          %dma_start3A_107 = tpu.memref_squeeze %dma_start3A_106 : memref<1x80x128xf32, #tpu.memory_space<vmem>> -> memref<80x128xf32, #tpu.memory_space<vmem>>
          %dma_start3A_108 = arith.constant 0 : i32
          %dma_start3A_109 = tpu.memref_slice %arg10[%add3A_102, %dma_start3A_108] : memref<65x80xi32, #tpu.memory_space<vmem>> -> memref<1x80xi32, #tpu.memory_space<vmem>>
          %dma_start3A_110 = tpu.memref_squeeze %dma_start3A_109 : memref<1x80xi32, #tpu.memory_space<vmem>> -> memref<80xi32, #tpu.memory_space<vmem>>
          %dma_start3A_111 = arith.constant 0 : i32
          %dma_start3A_112 = arith.constant 0 : i32
          %dma_start3A_113 = tpu.memref_slice %arg2[%dma_start3A_111, %dma_start3A_112] : memref<80000x128xf32, #tpu.memory_space<hbm>> -> memref<80000x128xf32, #tpu.memory_space<hbm>>
          tpu.enqueue_indirect_dma source(%dma_start3A_113 : memref<80000x128xf32, #tpu.memory_space<hbm>>) target(%dma_start3A_107 : memref<80x128xf32, #tpu.memory_space<vmem>>) offsets(%dma_start3A_110 : memref<80xi32, #tpu.memory_space<vmem>>) semaphore(%arg16 : memref<!tpu.dma_semaphore, #tpu.memory_space<semaphore_mem>>)
        } else {
        }
      } else {
      }
      %add3A_77 = arith.constant 1 : i32
      %add3A_78 = arith.addi %add3A_69, %add3A_77 : i32
      %lt3A_79 = arith.constant 60 : i32
      %lt3A_80 = arith.cmpi slt, %add3A_78, %lt3A_79 : i32
      %convert_element_type3A_81 = arith.extui %lt3A_80 : i1 to i32
      %cond3A_82 = arith.constant 0 : i32
      %cond3A_83 = arith.cmpi ne, %convert_element_type3A_81, %cond3A_82 : i32
      scf.if %cond3A_83 {
        %dma_wait3A = arith.constant 1 : i32
        %dma_wait3A_84 = arith.constant 0 : i32
        %dma_wait3A_85 = arith.constant 0 : i32
        %dma_wait3A_86 = tpu.memref_slice %arg12[%dma_wait3A, %dma_wait3A_84, %dma_wait3A_85] : memref<2x80x128xf32, #tpu.memory_space<vmem>> -> memref<1x80x128xf32, #tpu.memory_space<vmem>>
        %dma_wait3A_87 = tpu.memref_squeeze %dma_wait3A_86 : memref<1x80x128xf32, #tpu.memory_space<vmem>> -> memref<80x128xf32, #tpu.memory_space<vmem>>
        %dma_wait3A_88 = arith.constant 0 : i32
        %dma_wait3A_89 = tpu.memref_slice %arg10[%add3A_78, %dma_wait3A_88] : memref<65x80xi32, #tpu.memory_space<vmem>> -> memref<1x80xi32, #tpu.memory_space<vmem>>
        %dma_wait3A_90 = tpu.memref_squeeze %dma_wait3A_89 : memref<1x80xi32, #tpu.memory_space<vmem>> -> memref<80xi32, #tpu.memory_space<vmem>>
        %dma_wait3A_91 = arith.constant 0 : i32
        %dma_wait3A_92 = arith.constant 0 : i32
        %dma_wait3A_93 = tpu.memref_slice %arg2[%dma_wait3A_91, %dma_wait3A_92] : memref<80000x128xf32, #tpu.memory_space<hbm>> -> memref<80000x128xf32, #tpu.memory_space<hbm>>
        tpu.wait_indirect_dma semaphore(%arg16 : memref<!tpu.dma_semaphore, #tpu.memory_space<semaphore_mem>>) src(%dma_wait3A_93 : memref<80000x128xf32, #tpu.memory_space<hbm>>) dst(%dma_wait3A_87 : memref<80x128xf32, #tpu.memory_space<vmem>>)
        "tpu.region"() ({
          %run_scoped3A_101 = tpu.sem_alloc : memref<!tpu.dma_semaphore, #tpu.memory_space<semaphore_mem>>
          %dma_start3A_102 = arith.constant 0 : i32
          %dma_start3A_103 = tpu.memref_slice %arg11[%add3A_78, %dma_start3A_102] : memref<65x80xi32, #tpu.memory_space<vmem>> -> memref<1x80xi32, #tpu.memory_space<vmem>>
          %dma_start3A_104 = tpu.memref_squeeze %dma_start3A_103 : memref<1x80xi32, #tpu.memory_space<vmem>> -> memref<80xi32, #tpu.memory_space<vmem>>
          %dma_start3A_105 = arith.constant 0 : i32
          %dma_start3A_106 = arith.constant 0 : i32
          %dma_start3A_107 = tpu.memref_slice %arg15[%dma_start3A_105, %dma_start3A_106] : memref<10000x16xf32, #tpu.memory_space<vmem_shared>> -> memref<10000x16xf32, #tpu.memory_space<vmem_shared>>
          tpu.enqueue_indirect_dma source(%arg13 : memref<80x16xf32, #tpu.memory_space<vmem>>) target(%dma_start3A_107 : memref<10000x16xf32, #tpu.memory_space<vmem_shared>>) offsets(%dma_start3A_104 : memref<80xi32, #tpu.memory_space<vmem>>) semaphore(%run_scoped3A_101 : memref<!tpu.dma_semaphore, #tpu.memory_space<semaphore_mem>>) {add = true}
          %dma_wait3A_108 = arith.constant 0 : i32
          %dma_wait3A_109 = tpu.memref_slice %arg11[%add3A_78, %dma_wait3A_108] : memref<65x80xi32, #tpu.memory_space<vmem>> -> memref<1x80xi32, #tpu.memory_space<vmem>>
          %dma_wait3A_110 = tpu.memref_squeeze %dma_wait3A_109 : memref<1x80xi32, #tpu.memory_space<vmem>> -> memref<80xi32, #tpu.memory_space<vmem>>
          %dma_wait3A_111 = arith.constant 0 : i32
          %dma_wait3A_112 = arith.constant 0 : i32
          %dma_wait3A_113 = tpu.memref_slice %arg15[%dma_wait3A_111, %dma_wait3A_112] : memref<10000x16xf32, #tpu.memory_space<vmem_shared>> -> memref<10000x16xf32, #tpu.memory_space<vmem_shared>>
          tpu.wait_indirect_dma semaphore(%run_scoped3A_101 : memref<!tpu.dma_semaphore, #tpu.memory_space<semaphore_mem>>) src(%arg13 : memref<80x16xf32, #tpu.memory_space<vmem>>) dst(%dma_wait3A_113 : memref<10000x16xf32, #tpu.memory_space<vmem_shared>>)
          tpu.yield
        }) : () -> ()
        %run_scoped3A = arith.constant 1 : i32
        "tpu.region"() ({
          %run_scoped3A_101 = tpu.sem_alloc : memref<!tpu.dma_semaphore, #tpu.memory_space<semaphore_mem>>
          %dma_start3A_102 = arith.constant 0 : i32
          %dma_start3A_103 = arith.constant 0 : i32
          %dma_start3A_104 = tpu.memref_slice %arg12[%run_scoped3A, %dma_start3A_102, %dma_start3A_103] : memref<2x80x128xf32, #tpu.memory_space<vmem>> -> memref<1x80x128xf32, #tpu.memory_space<vmem>>
          %dma_start3A_105 = tpu.memref_squeeze %dma_start3A_104 : memref<1x80x128xf32, #tpu.memory_space<vmem>> -> memref<80x128xf32, #tpu.memory_space<vmem>>
          %dma_start3A_106 = arith.constant 0 : i32
          %dma_start3A_107 = tpu.memref_slice %arg11[%add3A_78, %dma_start3A_106] : memref<65x80xi32, #tpu.memory_space<vmem>> -> memref<1x80xi32, #tpu.memory_space<vmem>>
          %dma_start3A_108 = tpu.memref_squeeze %dma_start3A_107 : memref<1x80xi32, #tpu.memory_space<vmem>> -> memref<80xi32, #tpu.memory_space<vmem>>
          %dma_start3A_109 = arith.constant 0 : i32
          %dma_start3A_110 = arith.constant 0 : i32
          %dma_start3A_111 = tpu.memref_slice %arg14[%dma_start3A_109, %dma_start3A_110] : memref<10000x128xf32, #tpu.memory_space<vmem_shared>> -> memref<10000x128xf32, #tpu.memory_space<vmem_shared>>
          tpu.enqueue_indirect_dma source(%dma_start3A_105 : memref<80x128xf32, #tpu.memory_space<vmem>>) target(%dma_start3A_111 : memref<10000x128xf32, #tpu.memory_space<vmem_shared>>) offsets(%dma_start3A_108 : memref<80xi32, #tpu.memory_space<vmem>>) semaphore(%run_scoped3A_101 : memref<!tpu.dma_semaphore, #tpu.memory_space<semaphore_mem>>) {add = true}
          %dma_wait3A_112 = arith.constant 0 : i32
          %dma_wait3A_113 = arith.constant 0 : i32
          %dma_wait3A_114 = tpu.memref_slice %arg12[%run_scoped3A, %dma_wait3A_112, %dma_wait3A_113] : memref<2x80x128xf32, #tpu.memory_space<vmem>> -> memref<1x80x128xf32, #tpu.memory_space<vmem>>
          %dma_wait3A_115 = tpu.memref_squeeze %dma_wait3A_114 : memref<1x80x128xf32, #tpu.memory_space<vmem>> -> memref<80x128xf32, #tpu.memory_space<vmem>>
          %dma_wait3A_116 = arith.constant 0 : i32
          %dma_wait3A_117 = tpu.memref_slice %arg11[%add3A_78, %dma_wait3A_116] : memref<65x80xi32, #tpu.memory_space<vmem>> -> memref<1x80xi32, #tpu.memory_space<vmem>>
          %dma_wait3A_118 = tpu.memref_squeeze %dma_wait3A_117 : memref<1x80xi32, #tpu.memory_space<vmem>> -> memref<80xi32, #tpu.memory_space<vmem>>
          %dma_wait3A_119 = arith.constant 0 : i32
          %dma_wait3A_120 = arith.constant 0 : i32
          %dma_wait3A_121 = tpu.memref_slice %arg14[%dma_wait3A_119, %dma_wait3A_120] : memref<10000x128xf32, #tpu.memory_space<vmem_shared>> -> memref<10000x128xf32, #tpu.memory_space<vmem_shared>>
          tpu.wait_indirect_dma semaphore(%run_scoped3A_101 : memref<!tpu.dma_semaphore, #tpu.memory_space<semaphore_mem>>) src(%dma_wait3A_115 : memref<80x128xf32, #tpu.memory_space<vmem>>) dst(%dma_wait3A_121 : memref<10000x128xf32, #tpu.memory_space<vmem_shared>>)
          tpu.yield
        }) : () -> ()
        %add3A_94 = arith.constant 2 : i32
        %add3A_95 = arith.addi %add3A_78, %add3A_94 : i32
        %lt3A_96 = arith.constant 60 : i32
        %lt3A_97 = arith.cmpi slt, %add3A_95, %lt3A_96 : i32
        %convert_element_type3A_98 = arith.extui %lt3A_97 : i1 to i32
        %cond3A_99 = arith.constant 0 : i32
        %cond3A_100 = arith.cmpi ne, %convert_element_type3A_98, %cond3A_99 : i32
        scf.if %cond3A_100 {
          %add3A_101 = arith.constant 2 : i32
          %add3A_102 = arith.addi %add3A_78, %add3A_101 : i32
          %dma_start3A_103 = arith.constant 1 : i32
          %dma_start3A_104 = arith.constant 0 : i32
          %dma_start3A_105 = arith.constant 0 : i32
          %dma_start3A_106 = tpu.memref_slice %arg12[%dma_start3A_103, %dma_start3A_104, %dma_start3A_105] : memref<2x80x128xf32, #tpu.memory_space<vmem>> -> memref<1x80x128xf32, #tpu.memory_space<vmem>>
          %dma_start3A_107 = tpu.memref_squeeze %dma_start3A_106 : memref<1x80x128xf32, #tpu.memory_space<vmem>> -> memref<80x128xf32, #tpu.memory_space<vmem>>
          %dma_start3A_108 = arith.constant 0 : i32
          %dma_start3A_109 = tpu.memref_slice %arg10[%add3A_102, %dma_start3A_108] : memref<65x80xi32, #tpu.memory_space<vmem>> -> memref<1x80xi32, #tpu.memory_space<vmem>>
          %dma_start3A_110 = tpu.memref_squeeze %dma_start3A_109 : memref<1x80xi32, #tpu.memory_space<vmem>> -> memref<80xi32, #tpu.memory_space<vmem>>
          %dma_start3A_111 = arith.constant 0 : i32
          %dma_start3A_112 = arith.constant 0 : i32
          %dma_start3A_113 = tpu.memref_slice %arg2[%dma_start3A_111, %dma_start3A_112] : memref<80000x128xf32, #tpu.memory_space<hbm>> -> memref<80000x128xf32, #tpu.memory_space<hbm>>
          tpu.enqueue_indirect_dma source(%dma_start3A_113 : memref<80000x128xf32, #tpu.memory_space<hbm>>) target(%dma_start3A_107 : memref<80x128xf32, #tpu.memory_space<vmem>>) offsets(%dma_start3A_110 : memref<80xi32, #tpu.memory_space<vmem>>) semaphore(%arg16 : memref<!tpu.dma_semaphore, #tpu.memory_space<semaphore_mem>>)
        } else {
        }
      } else {
      }
    }
    %scan3A_58 = arith.constant 30 : i32
    %barrier3A_59 = arith.constant 0 : index
    tpu.barrier barrier_id(%barrier3A_59)
    %lt3A_60 = arith.constant 10 : i32
    %lt3A_61 = arith.cmpi slt, %arg1, %lt3A_60 : i32
    %convert_element_type3A_62 = arith.extui %lt3A_61 : i1 to i32
    %cond3A_63 = arith.constant 0 : i32
    %cond3A_64 = arith.cmpi ne, %convert_element_type3A_62, %cond3A_63 : i32
    scf.if %cond3A_64 {
      %mul3A_65 = arith.constant 1000 : i32
      %mul3A_66 = arith.muli %arg1, %mul3A_65 : i32
      "tpu.region"() ({
        %run_scoped3A = tpu.sem_alloc : memref<!tpu.dma_semaphore, #tpu.memory_space<semaphore_mem>>
        %dma_start3A_67 = arith.constant 0 : i32
        %dma_start3A_68 = tpu.memref_slice %arg8[%arg0, %mul3A_66, %dma_start3A_67] : memref<2x10000x128xf32, #tpu.memory_space<hbm>> -> memref<1x1000x128xf32, #tpu.memory_space<hbm>>
        %dma_start3A_69 = tpu.memref_squeeze %dma_start3A_68 : memref<1x1000x128xf32, #tpu.memory_space<hbm>> -> memref<1000x128xf32, #tpu.memory_space<hbm>>
        %dma_start3A_70 = arith.constant 0 : i32
        %dma_start3A_71 = tpu.memref_slice %arg14[%mul3A_66, %dma_start3A_70] : memref<10000x128xf32, #tpu.memory_space<vmem_shared>> -> memref<1000x128xf32, #tpu.memory_space<vmem_shared>>
        tpu.enqueue_dma source(%dma_start3A_71 : memref<1000x128xf32, #tpu.memory_space<vmem_shared>>) target(%dma_start3A_69 : memref<1000x128xf32, #tpu.memory_space<hbm>>) target_semaphore(%run_scoped3A : memref<!tpu.dma_semaphore, #tpu.memory_space<semaphore_mem>>)
        %dma_wait3A = arith.constant 0 : i32
        %dma_wait3A_72 = tpu.memref_slice %arg8[%arg0, %mul3A_66, %dma_wait3A] : memref<2x10000x128xf32, #tpu.memory_space<hbm>> -> memref<1x1000x128xf32, #tpu.memory_space<hbm>>
        %dma_wait3A_73 = tpu.memref_squeeze %dma_wait3A_72 : memref<1x1000x128xf32, #tpu.memory_space<hbm>> -> memref<1000x128xf32, #tpu.memory_space<hbm>>
        %dma_wait3A_74 = arith.constant 0 : i32
        %dma_wait3A_75 = tpu.memref_slice %arg14[%mul3A_66, %dma_wait3A_74] : memref<10000x128xf32, #tpu.memory_space<vmem_shared>> -> memref<1000x128xf32, #tpu.memory_space<vmem_shared>>
        tpu.wait_dma2 semaphore(%run_scoped3A : memref<!tpu.dma_semaphore, #tpu.memory_space<semaphore_mem>>) src(%dma_wait3A_75 : memref<1000x128xf32, #tpu.memory_space<vmem_shared>>) dst(%dma_wait3A_73 : memref<1000x128xf32, #tpu.memory_space<hbm>>)
        tpu.yield
      }) : () -> ()
      "tpu.region"() ({
        %run_scoped3A = tpu.sem_alloc : memref<!tpu.dma_semaphore, #tpu.memory_space<semaphore_mem>>
        %dma_start3A_67 = arith.constant 0 : i32
        %dma_start3A_68 = tpu.memref_slice %arg9[%arg0, %mul3A_66, %dma_start3A_67] : memref<2x10000x16xf32, #tpu.memory_space<hbm>> -> memref<1x1000x16xf32, #tpu.memory_space<hbm>>
        %dma_start3A_69 = tpu.memref_squeeze %dma_start3A_68 : memref<1x1000x16xf32, #tpu.memory_space<hbm>> -> memref<1000x16xf32, #tpu.memory_space<hbm>>
        %dma_start3A_70 = arith.constant 0 : i32
        %dma_start3A_71 = tpu.memref_slice %arg15[%mul3A_66, %dma_start3A_70] : memref<10000x16xf32, #tpu.memory_space<vmem_shared>> -> memref<1000x16xf32, #tpu.memory_space<vmem_shared>>
        tpu.enqueue_dma source(%dma_start3A_71 : memref<1000x16xf32, #tpu.memory_space<vmem_shared>>) target(%dma_start3A_69 : memref<1000x16xf32, #tpu.memory_space<hbm>>) target_semaphore(%run_scoped3A : memref<!tpu.dma_semaphore, #tpu.memory_space<semaphore_mem>>)
        %dma_wait3A = arith.constant 0 : i32
        %dma_wait3A_72 = tpu.memref_slice %arg9[%arg0, %mul3A_66, %dma_wait3A] : memref<2x10000x16xf32, #tpu.memory_space<hbm>> -> memref<1x1000x16xf32, #tpu.memory_space<hbm>>
        %dma_wait3A_73 = tpu.memref_squeeze %dma_wait3A_72 : memref<1x1000x16xf32, #tpu.memory_space<hbm>> -> memref<1000x16xf32, #tpu.memory_space<hbm>>
        %dma_wait3A_74 = arith.constant 0 : i32
        %dma_wait3A_75 = tpu.memref_slice %arg15[%mul3A_66, %dma_wait3A_74] : memref<10000x16xf32, #tpu.memory_space<vmem_shared>> -> memref<1000x16xf32, #tpu.memory_space<vmem_shared>>
        tpu.wait_dma2 semaphore(%run_scoped3A : memref<!tpu.dma_semaphore, #tpu.memory_space<semaphore_mem>>) src(%dma_wait3A_75 : memref<1000x16xf32, #tpu.memory_space<vmem_shared>>) dst(%dma_wait3A_73 : memref<1000x16xf32, #tpu.memory_space<hbm>>)
        tpu.yield
      }) : () -> ()
    } else {
    }
    return
  }
}

module attributes {stable_mosaic.version = 14 : i64} {
  func.func @_xw_body(%arg0: i32, %arg1: i32, %arg2: memref<1000x128xbf16, #tpu.memory_space<vmem>>, %arg3: memref<1x128x128xbf16, #tpu.memory_space<vmem>>, %arg4: memref<1000x128xf32, #tpu.memory_space<vmem>>) attributes {dimension_semantics = [#tpu.dimension_semantics<arbitrary>, #tpu.dimension_semantics<arbitrary>], iteration_bounds = array<i64: 10, 8>, scalar_prefetch = 0 : i64, scratch_operands = 0 : i64, tpu.core_type = #tpu.core_type<tc>, window_params = [{transform_indices = @transform_0, window_bounds = array<i64: 1000, 128>}, {transform_indices = @transform_1, window_bounds = array<i64: 1, 128, 128>}, {transform_indices = @transform_2, window_bounds = array<i64: 1000, 128>}]} {
    %get3A = arith.constant 0 : index
    %get3A_0 = arith.constant 0 : index
    %get3A_1 = vector.load %arg2[%get3A, %get3A_0] : memref<1000x128xbf16, #tpu.memory_space<vmem>>, vector<1000x128xbf16>
    %get3A_2 = arith.constant 0 : index
    %get3A_3 = arith.constant 0 : index
    %get3A_4 = arith.constant 0 : index
    %get3A_5 = vector.load %arg3[%get3A_2, %get3A_3, %get3A_4] : memref<1x128x128xbf16, #tpu.memory_space<vmem>>, vector<1x128x128xbf16>
    %get3A_6 = vector.shape_cast %get3A_5 : vector<1x128x128xbf16> to vector<128x128xbf16>
    %dot_general3A = arith.constant dense<0.000000e+00> : vector<1000x128xf32>
    %dot_general3A_7 = tpu.matmul %get3A_1, %get3A_6, %dot_general3A {dimension_numbers = #tpu.dot_dimension_numbers<[1], [0], [0], [1], [0, 0, 1, 1], [], []>, transpose_lhs_hint = false} : vector<1000x128xbf16>, vector<128x128xbf16>, vector<1000x128xf32> -> vector<1000x128xf32>
    %swap3A = arith.constant 0 : index
    %swap3A_8 = arith.constant 0 : index
    %swap3A_9 = vector.load %arg4[%swap3A, %swap3A_8] : memref<1000x128xf32, #tpu.memory_space<vmem>>, vector<1000x128xf32>
    tpu.vector_store %arg4[%swap3A, %swap3A_8], %dot_general3A_7 {strides = array<i32>} : memref<1000x128xf32, #tpu.memory_space<vmem>>, vector<1000x128xf32>,
    return
  }
  func.func @transform_0(%arg0: i32, %arg1: i32) -> (i32, i32) {
    %c0_i32 = arith.constant 0 : i32
    %c0_i32_0 = arith.constant 0 : i32
    return %arg0, %c0_i32 : i32, i32
  }
  func.func @transform_1(%arg0: i32, %arg1: i32) -> (i32, i32, i32) {
    %c0_i32 = arith.constant 0 : i32
    %c0_i32_0 = arith.constant 0 : i32
    %c0_i32_1 = arith.constant 0 : i32
    return %arg1, %c0_i32, %c0_i32_0 : i32, i32, i32
  }
  func.func @transform_2(%arg0: i32, %arg1: i32) -> (i32, i32) {
    %mul3A = arith.constant 10 : i32
    %mul3A_0 = arith.muli %arg1, %mul3A : i32
    %add3A = arith.addi %mul3A_0, %arg0 : i32
    %c0_i32 = arith.constant 0 : i32
    %c0_i32_1 = arith.constant 0 : i32
    return %add3A, %c0_i32 : i32, i32
  }
}

module attributes {stable_mosaic.version = 14 : i64} {
  func.func @_fin_body(%arg0: i32, %arg1: memref<2x1000x128xf32, #tpu.memory_space<vmem>>, %arg2: memref<2x1000x16xf32, #tpu.memory_space<vmem>>, %arg3: memref<1000x128xf32, #tpu.memory_space<vmem>>) attributes {dimension_semantics = [#tpu.dimension_semantics<arbitrary>], iteration_bounds = array<i64: 10>, scalar_prefetch = 0 : i64, scratch_operands = 0 : i64, tpu.core_type = #tpu.core_type<tc>, window_params = [{transform_indices = @transform_0, window_bounds = array<i64: 2, 1000, 128>}, {transform_indices = @transform_1, window_bounds = array<i64: 2, 1000, 16>}, {transform_indices = @transform_2, window_bounds = array<i64: 1000, 128>}]} {
    %get3A = arith.constant 0 : index
    %get3A_0 = arith.constant 0 : index
    %get3A_1 = arith.constant 0 : index
    %get3A_2 = vector.load %arg1[%get3A, %get3A_0, %get3A_1] : memref<2x1000x128xf32, #tpu.memory_space<vmem>>, vector<1x1000x128xf32>
    %get3A_3 = vector.shape_cast %get3A_2 : vector<1x1000x128xf32> to vector<1000x128xf32>
    %get3A_4 = arith.constant 1 : index
    %get3A_5 = arith.constant 0 : index
    %get3A_6 = arith.constant 0 : index
    %get3A_7 = vector.load %arg1[%get3A_4, %get3A_5, %get3A_6] : memref<2x1000x128xf32, #tpu.memory_space<vmem>>, vector<1x1000x128xf32>
    %get3A_8 = vector.shape_cast %get3A_7 : vector<1x1000x128xf32> to vector<1000x128xf32>
    %add3A = arith.addf %get3A_3, %get3A_8 : vector<1000x128xf32>
    %get3A_9 = arith.constant 0 : index
    %get3A_10 = arith.constant 0 : index
    %get3A_11 = arith.constant 0 : index
    %get3A_12 = vector.load %arg2[%get3A_9, %get3A_10, %get3A_11] : memref<2x1000x16xf32, #tpu.memory_space<vmem>>, vector<1x1000x1xf32>
    %get3A_13 = vector.shape_cast %get3A_12 : vector<1x1000x1xf32> to vector<1000x1xf32>
    %get3A_14 = arith.constant 1 : index
    %get3A_15 = arith.constant 0 : index
    %get3A_16 = arith.constant 0 : index
    %get3A_17 = vector.load %arg2[%get3A_14, %get3A_15, %get3A_16] : memref<2x1000x16xf32, #tpu.memory_space<vmem>>, vector<1x1000x1xf32>
    %get3A_18 = vector.shape_cast %get3A_17 : vector<1x1000x1xf32> to vector<1000x1xf32>
    %add3A_19 = arith.addf %get3A_13, %get3A_18 : vector<1000x1xf32>
    %max3A = arith.constant 1.000000e+00 : f32
    %max3A_20 = vector.broadcast %max3A : f32 to vector<1000x1xf32>
    %max3A_21 = arith.maximumf %add3A_19, %max3A_20 : vector<1000x1xf32>
    %div3A = vector.broadcast %max3A_21 : vector<1000x1xf32> to vector<1000x128xf32>
    %div3A_22 = arith.divf %add3A, %div3A : vector<1000x128xf32>
    %swap3A = arith.constant 0 : index
    %swap3A_23 = arith.constant 0 : index
    %swap3A_24 = vector.load %arg3[%swap3A, %swap3A_23] : memref<1000x128xf32, #tpu.memory_space<vmem>>, vector<1000x128xf32>
    tpu.vector_store %arg3[%swap3A, %swap3A_23], %div3A_22 {strides = array<i32>} : memref<1000x128xf32, #tpu.memory_space<vmem>>, vector<1000x128xf32>,
    return
  }
  func.func @transform_0(%arg0: i32) -> (i32, i32, i32) {
    %c0_i32 = arith.constant 0 : i32
    %c0_i32_0 = arith.constant 0 : i32
    %c0_i32_1 = arith.constant 0 : i32
    return %c0_i32, %arg0, %c0_i32_0 : i32, i32, i32
  }
  func.func @transform_1(%arg0: i32) -> (i32, i32, i32) {
    %c0_i32 = arith.constant 0 : i32
    %c0_i32_0 = arith.constant 0 : i32
    %c0_i32_1 = arith.constant 0 : i32
    return %c0_i32, %arg0, %c0_i32_0 : i32, i32, i32
  }
  func.func @transform_2(%arg0: i32) -> (i32, i32) {
    %c0_i32 = arith.constant 0 : i32
    %c0_i32_0 = arith.constant 0 : i32
    return %arg0, %c0_i32 : i32, i32
  }
}

</mosaic_0001>

<sc_bundles>
// kernel: kernel.5.cloned.1.call-start
scs
__scs_entry_jumppad:
0x0: {  	(pc) =	sbr.rel $0x88, $3  }
0x1: {  	(tag) =	ssettag $0x0;
	lr =	simm.s32 $0x1  }
0x2: {  	[smem:$0x3F9D] =	sst lr;
	_ =	strace $0xD0000000  }
0x3: {  	_ = 	snop  }
0x4: {  	_ = 	snop  }
0x5: {  	_ = 	snop  }
0x6: {  	_ = 	snop  }
0x7: {  	_ = 	snop  }
__scs_overlays_trampoline_lowered:
0x8: {  	[smem:$0x3FAC] =	sst s0  }
0x9: {  	[smem:$0x3FAD] =	sst s1  }
0xa: {  	[smem:$0x3FAE] =	sst s2  }
0xb: {  	[smem:$0x3FAF] =	sst s3  }
0xc: {  	[smem:$0x3FB0] =	sst s4  }
0xd: {  	[smem:$0x3FB1] =	sst s5  }
0xe: {  	[smem:$0x3FB2] =	sst s6  }
0xf: {  	[smem:$0x3FB3] =	sst s7  }
0x10: {  	[smem:$0x3FB4] =	sst s8  }
0x11: {  	[smem:$0x3FB5] =	sst s9;
	s0 =	simm.s32 @!p0 $0x0  }
0x12: {  	s1 =	sld [smem:$0x3F9B];
	s0 =	simm.s32 @p0 $0x1  }
0x13: {  	[smem:$0x3FB6] =	sst s0;
	s0 =	simm.s32 @!p1 $0x0  }
0x14: {  	s2 =	sld [smem:$0x3F9A];
	s0 =	simm.s32 @p1 $0x1  }
0x15: {  	[smem:$0x3FB7] =	sst s0;
	s0 =	simm.s32 @!p2 $0x0  }
0x16: {  	s3 =	sld [smem:$0x3FDB];
	s0 =	simm.s32 @p2 $0x1  }
0x17: {  	s4 =	simm.s32 $0x1BF5;
	[smem:$0x3FB9] =	sst s0  }
0x18: {  	s0 =	sld [smem:$0x3F9C];
	_ =	swait.ge [sflag:s4], $0x0  }
0x19: {  	s7 =	sld [smem:$0x3F9D]  }
0x1a: {  	s8 =	sadd.s32 $0xFFFFE003, lr  }
0x1b: {  	s9 =	sadd.s32 $0xFFFFFEF7, lr;
	s5 =	simm.s32 $0xFFFFFFFF;
	p2 =	slt.u32 s8, $0xFFFFF086  }
0x1c: {  	p1 =	slt.u32 s9, $0xF7A;
	s5 =	simm.s32 @!p2 $0x0  }
0x1d: {  	s5 =	simm.s32 @p1 $0x1;
	p0 =	seq.s32 s7, s2  }
0x1e: {  	s7 =	smul.u32 @!p0 $0xF7A, s2;
	p2 =	seq.s32 @!p0 s5, $0x0  }
0x1f: {  	s9 =	smul.u32 $0xF7A, s1;
	s8 =	simm.s32 @!p0 $0x1BF5;
	p2 =	por !p2, p0  }
0x20: {  	[sflag:s8] =	ssyncset.s32 @!p0 $0xFFFFF086;
	s6 =	sadd.s32 @!p0 s3, s7;
	s7 =	simm.s32 @!p0 $0x108  }
0x21: {  	s3 =	sadd.s32 s3, s9;
	s6 =	sadd.s32 @!p0 $0x88, s6;
	s7 =	simm.s32 @p2 $0x1082  }
0x22: {  	[simem:s7], [sflag:s8] =	dma.local @!p0 [hbm:s6], $0xF7A  }
0x23: {  	s9 =	sor.u32 $0xD0000000, s2;
	s6 =	simm.s32 $0x108;
	_ =	swait.ge @!p0 [sflag:s8], $0x0  }
0x24: {  	s3 =	sadd.s32 $0x88, s3;
	s6 =	simm.s32 @!p1 $0x1082;
	[sflag:s4] =	ssyncset.s32 $0xFFFFF086  }
0x25: {  	[simem:s6], [sflag:s4] =	dma.local [hbm:s3], $0xF7A  }
0x26: {  	[smem:$0x3F9D] =	sst s1;
	(tag) =	ssettag s2;
	_ =	strace s9  }
0x27: {  	s1 =	sld [smem:$0x3FAD]  }
0x28: {  	s2 =	sld [smem:$0x3FAE]  }
0x29: {  	s4 =	sld [smem:$0x3FB0]  }
0x2a: {  	p0 =	seq.s32 s5, $0x0;
	s5 =	sld [smem:$0x3FB1]  }
0x2b: {  	s6 =	sld [smem:$0x3FB2]  }
0x2c: {  	s7 =	sld [smem:$0x3FB3]  }
0x2d: {  	s3 =	simm.s32 $0x108;
	s8 =	sld [smem:$0x3FB4]  }
0x2e: {  	s3 =	simm.s32 @!p0 $0x1082;
	s9 =	sld [smem:$0x3FB5]  }
0x2f: {  	lr =	sadd.s32 s0, s3;
	s0 =	sld [smem:$0x3FAC]  }
0x30: {  	s3 =	sld [smem:$0x3FAF]  }
0x31: {  	[smem:$0x3FB8] =	sst s10  }
0x32: {  	s10 =	sld [smem:$0x3FB6];
	_ =	sdelay $0x3  }
0x33: {  	p0 =	seq.s32 s10, $0x1;
	s10 =	sld [smem:$0x3FB8];
	_ =	sdelay $0x3  }
0x34: {  	[smem:$0x3FB8] =	sst s10  }
0x35: {  	s10 =	sld [smem:$0x3FB7];
	_ =	sdelay $0x3  }
0x36: {  	p1 =	seq.s32 s10, $0x1;
	s10 =	sld [smem:$0x3FB8];
	_ =	sdelay $0x3  }
0x37: {  	[smem:$0x3FB8] =	sst s10  }
0x38: {  	s10 =	sld [smem:$0x3FB9]  }
0x39: {  	_ = 	snop;
	(pc) =	sbr.ind lr, $3  }
0x3a: {  	_ = 	snop  }
0x3b: {  	_ = 	snop  }
0x3c: {  	p2 =	seq.s32 s10, $0x1;
	s10 =	sld [smem:$0x3FB8]  }
0x3d: {  	_ =	shalt  }
0x3e: {  	_ =	shalt  }
0x3f: {  	_ =	shalt  }
0x40: {  	_ =	shalt  }
0x41: {  	_ =	shalt  }
0x42: {  	_ =	shalt  }
0x43: {  	_ =	shalt  }
0x44: {  	_ =	shalt  }
0x45: {  	_ =	shalt  }
0x46: {  	_ =	shalt  }
0x47: {  	_ =	shalt  }
0x48: {  	_ =	shalt  }
0x49: {  	_ =	shalt  }
0x4a: {  	_ =	shalt  }
0x4b: {  	_ =	shalt  }
0x4c: {  	_ =	shalt  }
0x4d: {  	_ =	shalt  }
0x4e: {  	_ =	shalt  }
0x4f: {  	_ =	shalt  }
0x50: {  	_ =	shalt  }
0x51: {  	_ =	shalt  }
0x52: {  	_ =	shalt  }
0x53: {  	_ =	shalt  }
0x54: {  	_ =	shalt  }
0x55: {  	_ =	shalt  }
0x56: {  	_ =	shalt  }
0x57: {  	_ =	shalt  }
0x58: {  	_ =	shalt  }
0x59: {  	_ =	shalt  }
0x5a: {  	_ =	shalt  }
0x5b: {  	_ =	shalt  }
0x5c: {  	_ =	shalt  }
0x5d: {  	_ =	shalt  }
0x5e: {  	_ =	shalt  }
0x5f: {  	_ =	shalt  }
0x60: {  	_ =	shalt  }
0x61: {  	_ =	shalt  }
0x62: {  	_ =	shalt  }
0x63: {  	_ =	shalt  }
0x64: {  	_ =	shalt  }
0x65: {  	_ =	shalt  }
0x66: {  	_ =	shalt  }
0x67: {  	_ =	shalt  }
0x68: {  	_ =	shalt  }
0x69: {  	_ =	shalt  }
0x6a: {  	_ =	shalt  }
0x6b: {  	_ =	shalt  }
0x6c: {  	_ =	shalt  }
0x6d: {  	_ =	shalt  }
0x6e: {  	_ =	shalt  }
0x6f: {  	_ =	shalt  }
0x70: {  	_ =	shalt  }
0x71: {  	_ =	shalt  }
0x72: {  	_ =	shalt  }
0x73: {  	_ =	shalt  }
0x74: {  	_ =	shalt  }
0x75: {  	_ =	shalt  }
0x76: {  	_ =	shalt  }
0x77: {  	_ =	shalt  }
0x78: {  	_ =	shalt  }
0x79: {  	_ =	shalt  }
0x7a: {  	_ =	shalt  }
0x7b: {  	_ =	shalt  }
0x7c: {  	_ =	shalt  }
0x7d: {  	_ =	shalt  }
0x7e: {  	_ =	shalt  }
0x7f: {  	_ =	shalt  }
0x80: {  	_ =	shalt  }
0x81: {  	_ =	shalt  }
0x82: {  	_ =	shalt  }
0x83: {  	_ =	shalt  }
0x84: {  	_ =	shalt  }
0x85: {  	_ =	shalt  }
0x86: {  	_ =	shalt  }
0x87: {  	_ =	shalt  }
.Lfunc_end0:
.L_simem_size_0:
called_computation_lowered:
.L_overlay_start_0:
0x88: {  	s2 =	sld [smem:$0x3FD9]  }
0x89: {  	s3 =	sld [smem:$0x3FFE];
	_ =	sdelay $0x1  }
0x8a: {  	s1 =	srdreg.scid  }
0x8b: {  	s0 =	sand.u32 $0x1, s1  }
0x8c: {  	s17 =	sshll.u32 s0, $0xA;
	s2 =	sadd.s32 s3, s2  }
0x8d: {  	s2 =	sadd.s32 s2, s17  }
0x8e: {  	[smem:$0x3FC4] =	sst s2  }
0x8f: {  	_ = 	snop  }
0x90: {  	s2 =	sld [smem:$0x3FD0];
	(tm) =	ssettm $0x1  }
0x91: {  	s18 =	sld [smem:$0x3FFB];
	_ =	sdelay $0x3  }
0x92: {  	_ =	strace s18  }
0x93: {  	s3 =	sld [smem:$0x3FFC];
	_ =	sdelay $0x3  }
0x94: {  	_ =	strace s3  }
0x95: {  	s3 =	sld [smem:$0x3FFD];
	_ =	sdelay $0x3  }
0x96: {  	_ =	strace s3  }
0x97: {  	_ =	strace $0x8FFFFFFF  }
0x98: {  	s19 =	sld [smem:$0x3FDB];
	_ =	sdelay $0x1  }
0x99: {  	s4 =	simm.s32 $_scs_section_size  }
0x9a: {  	s5 =	simm.s32 $_size__tile_overlayer_lowered;
	s6 =	simm.s32 $_tile_overlayer_lowered  }
0x9b: {  	s22 =	simm.s32 $0x1BFF;
	s21 =	sshll.u32 s6, $0x1;
	s3 =	sadd.s32 s4, s19  }
0x9c: {  	s7 =	simm.s32 $0x0;
	s20 =	sshll.u32 s5, $0x1;
	s5 =	sadd.s32 s21, s3  }
0x9d: {  	[timem:s7], [sflag:s22] =	dma.local [hbm:s5], s20  }
0x9e: {  	_ =	swait.ge [sflag:s22], s20  }
0x9f: {  	s4 =	ssub.s32 $0x0, s20;
	[sflag:s22] =	ssyncset.done $0x0  }
0xa0: {  	[sflag:s22] =	ssyncadd.s32 s4;
	_ =	sdelay $0x1  }
0xa1: {  	s23 =	simm.s32 $0x1B8B  }
0xa2: {  	_ =	swait.ge [sflag:s23], $0x1  }
0xa3: {  	[sflag:s23] =	ssyncset.done $0x0  }
0xa4: {  	s25 =	simm.s32 $0x1B8E;
	s24 =	sld [smem:$0x3FFE];
	[sflag:s23] =	ssyncadd.s32 $0xFFFFFFFF  }
0xa5: {  	s26 =	simm.s32 $execute0_lowered;
	[smem:$0x3FD2] =	sst s25  }
0xa6: {  	s5 =	sshll.u32 s26, $0x1;
	_ =	strace $0x80000046;
	[dreg:$0x1] =	wrdreg $0xFFFFFFFF  }
0xa7: {  	s28 =	simm.s32 $_size_execute0_lowered;
	s3 =	sadd.s32 s3, s5;
	[dreg:$0x0] =	wrdreg $0x0  }
0xa8: {  	s5 =	sshll.u32 s28, $0x1;
	[dreg:$0x2] =	wrdreg s3  }
0xa9: {  	[dreg:$0x3] =	wrdreg s5  }
0xaa: {  	[dreg:$0x4] =	wrdreg $0xC0  }
0xab: {  	_ =	task [dreg:s7], $0x5FFFF  }
0xac: {  	[dreg:$0x1] =	wrdreg $0xFFFFFFFF  }
0xad: {  	[dreg:$0x0] =	wrdreg $0x60  }
0xae: {  	[dreg:$0x2] =	wrdreg s24  }
0xaf: {  	[dreg:$0x3] =	wrdreg s2  }
0xb0: {  	[dreg:$0x4] =	wrdreg $0x7DA00  }
0xb1: {  	[dreg:$0x5] =	wrdreg $0x1B6200  }
0xb2: {  	[dreg:$0x6] =	wrdreg $0x9  }
0xb3: {  	_ =	task.clear_ibuf [dreg:s7], $0x7FFFF;
	_ =	strace $0x90000046  }
0xb4: {  	s29 =	simm.s32 $0x9;
	_ =	strace $0x80000048  }
0xb5: {  	_ =	swait.ge [sflag:s29], $0x1  }
0xb6: {  	[sflag:s29] =	ssyncadd.s32 $0xFFFFFFFF  }
0xb7: {  	_ =	strace $0x90000048  }
0xb8: {  	_ =	sfence  }
0xb9: {  	s30 =	sld [smem:$0x0];
	_ =	sdelay $0x2  }
0xba: {  	s31 =	sshll.u32 s1, $0xD;
	s1 =	sshrl.u32 s1, $0x2  }
0xbb: {  	s3 =	sand.u32 $0x4000, s31;
	s1 =	sadd.s32 s1, s30  }
0xbc: {  	s0 =	sor.u32 s3, s0;
	s1 =	sshll.u32 s1, $0x11  }
0xbd: {  	s0 =	sor.u32 s1, s0  }
0xbe: {  	s0 =	sadd.s32 $0x8F2B, s0  }
0xbf: {  	[sflag:s0] =	ssyncadd.remote.s32 $0x1  }
0xc0: {  	_ =	sfence.sel $0xFFFF  }
0xc1: {  	[dreg:$0x0] =	wrdreg $0xFFFFFFFF;
	(pc) =	sbr.abs _section_cstart, $3  }
0xc2: {  	[dreg:$0x1] =	wrdreg $0xFFFFFFFF  }
0xc3: {  	_ =	task.clear_ibuf [dreg:s7], $0x2FFFF;
	_ =	strace $0x9FFFFFFF  }
0xc4: {  	(tm) =	ssettm $0x7FFFFFFF  }
0xc5: {  	_ =	shalt  }
tec
execute0_lowered:
.L_overlay_start_1:
0x0: {  	(tag) =	ssettag $0x1  }
0x1: {  	s0 =	rddreg [dreg:$0x0]  }
0x2: {  	s3 =	rddreg [dreg:$0x1]  }
0x3: {  	s1 =	rddreg [dreg:$0x2]  }
0x4: {  	s2 =	rddreg [dreg:$0x3]  }
0x5: {  	s4 =	srdreg.scid;
	s20 =	stileid.u32  }
0x6: {  	s28 =	simm.s32 $0x2850;
	s29 =	simm.s32 $0x2670;
	s30 =	simm.s32 $0x26C0  }
0x7: {  	s31 =	simm.s32 $0x0;
	s6 =	sand.u32 $0x1, s4;
	s14 =	smul.u32 $0x1F400, s20  }
0x8: {  	s4 =	simm.s32 $0x0;
	s5 =	sadd.s32 $0xA400, s0;
	s15 =	smul.u32 $0x3E80, s20  }
0x9: {  	s11 =	sadd.s32 $0x600, s0;
	s8 =	sadd.s32 $0x143600, s0;
	s12 =	smul.u32 $0x7D000, s20  }
0xa: {  	s21 =	sadd.s32 $0x142E00, s0;
	s22 =	sshll.u32 s20, $0x1;
	s23 =	smul.u32 $0xFA00, s20  }
0xb: {  	p0 =	sgt.u32 s20, $0x9;
	s20 =	simm.s32 $0x1450;
	s7 =	smul.u32 $0x138800, s6  }
0xc: {  	[smem:$0x7FF] =	sst s4;
	s9 =	smul.u32 $0x27100, s6;
	s16 =	ssub.s32 $0x2, s6  }
0xd: {  	s6 =	sor.u32 s6, s22;
	_ =	strace $0x80000047;
	[dreg:$0x5] =	wrdreg s8  }
0xe: {  	s22 =	simm.s32 $0x28A0;
	[dreg:$0x6] =	wrdreg s21;
	s8 =	sadd.s32 $0x142C00, s0  }
0xf: {  	s17 =	sshrl.u32 s16, $0x1;
	s6 =	smul.u32 $0x2710, s6;
	s24 =	sshrl.u32 s12, $0x2  }
0x10: {  	s25 =	sshrl.u32 s23, $0x2;
	s21 =	simm.s32 $0x50;
	s23 =	simm.s32 $0x50A0  }
0x11: {  	s7 =	sadd.s32 s14, s7;
	s9 =	sadd.s32 s15, s9;
	s16 =	ssub.s32 s16, s17  }
0x12: {  	s18 =	sadd.s32 s24, s1;
	s19 =	sadd.s32 s25, s2;
	s17 =	simm.s32 $0x2  }
0x13: {  	s10 =	sshrl.u32 s7, $0x3;
	s9 =	sshrl.u32 s9, $0x3;
	s6 =	sshrl.u32 s6, $0x3  }
0x14: {  	s18 =	sshrl.u32 @!p0 s18, $0x3;
	s19 =	sshrl.u32 @!p0 s19, $0x3;
	s13 =	sadd.s32 s10, s0  }
0x15: {  	s0 =	sadd.s32 s9, s0;
	s9 =	sadd.s32 s11, s6;
	s26 =	sadd.s32 $0x28A, s6  }
0x16: {  	s10 =	sadd.s32 s3, s6;
	s11 =	sadd.s32 s11, s26;
	s12 =	sadd.s32 s3, s26  }
0x17: {  	s13 =	sadd.s32 $0x151400, s13;
	s3 =	sadd.s32 s14, s1;
	s14 =	sadd.s32 $0x147600, s0  }
0x18: {  	s0 =	sadd.s32 s15, s2;
	s15 =	smax.u32 s16, $0x1;
	s16 =	simm.s32 $0x78A0  }
0x19: {  	s26 =	simm.s32 $0x1;
	s24 =	sshrl.u32 @!p0 s3, $0x3;
	s25 =	sshrl.u32 @!p0 s0, $0x3  }
.LBB2_1:
0x1a: {  	[tilespmem:s16], [sflag:$0x2] =	stream.linear.gather [hbm4b:s8+s4], $0x500, $0x38;
	[tilespmem:$0x1DD30] =	vst v63  }
0x1b: {  	s0 =	stileid.u32;
	_ =	swait.ge [sflag:s17], $0x500  }
0x1c: {  	s0 =	sshll.u32 @!p0 s0, $0x6;
	[sflag:s17] =	ssyncset.done $0x0  }
0x1d: {  	s0 =	sor.u32 @!p0 $0x1C02, s0;
	s3 =	rddreg [dreg:$0x5];
	[sflag:s17] =	ssyncadd.s32 $0xFFFFFB00  }
0x1e: {  	[spmem:s18], [sflag:s0] =	dma.local @!p0 [hbm:s3], $0x3E80  }
0x1f: {  	s3 =	simm.s32 @!p0 $0x2  }
0x20: {  	_ =	swait.ge @!p0 [sflag:s3], $0x3E80  }
0x21: {  	[sflag:s3] =	ssyncset.done @!p0 $0x0  }
0x22: {  	s6 =	rddreg [dreg:$0x6];
	[sflag:s3] =	ssyncadd.s32 @!p0 $0xFFFFC180  }
0x23: {  	[spmem:s19], [sflag:s0] =	dma.local @!p0 [hbm:s6], $0x7D0  }
0x24: {  	_ =	swait.ge @!p0 [sflag:s3], $0x7D0  }
0x25: {  	[sflag:s3] =	ssyncset.done @!p0 $0x0  }
0x26: {  	[sflag:s3] =	ssyncadd.s32 @!p0 $0xFFFFF830  }
0x27: {  	[tilespmem:s4], [sflag:$0x2] =	stream.linear.gather [hbm4b:s9+s4], $0x1450, $0x38;
	[tilespmem:$0x1DD30] =	vst v63  }
0x28: {  	_ =	swait.ge [sflag:s17], $0x1450  }
0x29: {  	[sflag:s17] =	ssyncset.done $0x0  }
0x2a: {  	[sflag:s17] =	ssyncadd.s32 $0xFFFFEBB0  }
0x2b: {  	[tilespmem:s20], [sflag:$0x2] =	stream.linear.gather [hbm4b:s10+s4], $0x1450, $0x38;
	[tilespmem:$0x1DD30] =	vst v63  }
0x2c: {  	_ =	swait.ge [sflag:s17], $0x1450  }
0x2d: {  	[sflag:s17] =	ssyncset.done $0x0  }
0x2e: {  	[sflag:s17] =	ssyncadd.s32 $0xFFFFEBB0  }
0x2f: {  	[bflag:$0x0] =	sbarrier.arrive $0xFFFF  }
0x30: {  	[tilespmem:s22], [sflag:$0x1] =	stream.indirect.gather [hbm4b:s5+s21], $0x80, s4, s21, $0xb8;
	[tilespmem:$0x1DD30] =	vst v63  }
0x31: {  	_ = 	snop  }
0x32: {  	[tilespmem:s23], [sflag:$0x1] =	stream.indirect.gather [hbm4b:s5+s21], $0x80, s21, s21, $0xb8;
	[tilespmem:$0x1DD30] =	vst v63  }
0x33: {  	_ =	swait.ge [sflag:s26], $0x2800  }
0x34: {  	[sflag:s26] =	ssyncset.done $0x0  }
0x35: {  	s7 =	simm.s32 $0x1450;
	[sflag:s26] =	ssyncadd.s32 $0xFFFFD800  }
0x36: {  	[spmem:s2] =	stream.indirect.scatter.add.f32 [tilespmem:s16], [sflag:$0x2], $0x10, s7, s21, $0xb8;
	[tilespmem:$0x1DD30] =	vst v63  }
0x37: {  	_ =	swait.ge [sflag:s17], $0x500  }
0x38: {  	[sflag:s17] =	ssyncset.done $0x0  }
0x39: {  	[sflag:s17] =	ssyncadd.s32 $0xFFFFFB00  }
0x3a: {  	[spmem:s1] =	stream.indirect.scatter.add.f32 [tilespmem:s22], [sflag:$0x2], $0x80, s7, s21, $0xb8;
	[tilespmem:$0x1DD30] =	vst v63  }
0x3b: {  	_ =	swait.ge [sflag:s17], $0x2800  }
0x3c: {  	[sflag:s17] =	ssyncset.done $0x0  }
0x3d: {  	s6 =	simm.s32 $0xA0;
	[sflag:s17] =	ssyncadd.s32 $0xFFFFD800  }
0x3e: {  	[tilespmem:s22], [sflag:$0x1] =	stream.indirect.gather [hbm4b:s5+s21], $0x80, s6, s21, $0xb8;
	[tilespmem:$0x1DD30] =	vst v63  }
0x3f: {  	_ =	swait.ge [sflag:s26], $0x2800  }
0x40: {  	[sflag:s26] =	ssyncset.done $0x0  }
0x41: {  	s7 =	simm.s32 $0x14A0;
	[sflag:s26] =	ssyncadd.s32 $0xFFFFD800  }
0x42: {  	[spmem:s2] =	stream.indirect.scatter.add.f32 [tilespmem:s16], [sflag:$0x2], $0x10, s7, s21, $0xb8;
	[tilespmem:$0x1DD30] =	vst v63  }
0x43: {  	_ =	swait.ge [sflag:s17], $0x500  }
0x44: {  	[sflag:s17] =	ssyncset.done $0x0  }
0x45: {  	[sflag:s17] =	ssyncadd.s32 $0xFFFFFB00  }
0x46: {  	[spmem:s1] =	stream.indirect.scatter.add.f32 [tilespmem:s23], [sflag:$0x2], $0x80, s7, s21, $0xb8;
	[tilespmem:$0x1DD30] =	vst v63  }
0x47: {  	_ =	swait.ge [sflag:s17], $0x2800  }
0x48: {  	[sflag:s17] =	ssyncset.done $0x0  }
0x49: {  	s3 =	simm.s32 $0x280;
	s6 =	simm.s32 $0xF0;
	[sflag:s17] =	ssyncadd.s32 $0xFFFFD800  }
.LBB2_2:
0x4a: {  	[tilespmem:s23], [sflag:$0x1] =	stream.indirect.gather [hbm4b:s5+s21], $0x80, s6, s21, $0xb8;
	[tilespmem:$0x1DD30] =	vst v63  }
0x4b: {  	s6 =	smov.u32 s3;
	s3 =	sadd.s32 $0x280, s3;
	_ =	swait.ge [sflag:s26], $0x2800  }
0x4c: {  	s6 =	sshra.s32 s6, $0x2;
	p1 =	sne.s32 s3, $0x4D80;
	[sflag:s26] =	ssyncset.done $0x0  }
0x4d: {  	s7 =	sadd.s32 $0x1450, s6;
	[sflag:s26] =	ssyncadd.s32 $0xFFFFD800  }
0x4e: {  	[spmem:s2] =	stream.indirect.scatter.add.f32 [tilespmem:s16], [sflag:$0x2], $0x10, s7, s21, $0xb8;
	[tilespmem:$0x1DD30] =	vst v63  }
0x4f: {  	_ =	swait.ge [sflag:s17], $0x500  }
0x50: {  	[sflag:s17] =	ssyncset.done $0x0  }
0x51: {  	[sflag:s17] =	ssyncadd.s32 $0xFFFFFB00  }
0x52: {  	[spmem:s1] =	stream.indirect.scatter.add.f32 [tilespmem:s22], [sflag:$0x2], $0x80, s7, s21, $0xb8;
	[tilespmem:$0x1DD30] =	vst v63  }
0x53: {  	_ =	swait.ge [sflag:s17], $0x2800  }
0x54: {  	[sflag:s17] =	ssyncset.done $0x0  }
0x55: {  	s7 =	sadd.s32 $0xA0, s6;
	[sflag:s17] =	ssyncadd.s32 $0xFFFFD800  }
0x56: {  	[tilespmem:s22], [sflag:$0x1] =	stream.indirect.gather [hbm4b:s5+s21], $0x80, s7, s21, $0xb8;
	[tilespmem:$0x1DD30] =	vst v63  }
0x57: {  	_ =	swait.ge [sflag:s26], $0x2800  }
0x58: {  	[sflag:s26] =	ssyncset.done $0x0  }
0x59: {  	s7 =	sadd.s32 $0x14A0, s6;
	[sflag:s26] =	ssyncadd.s32 $0xFFFFD800  }
0x5a: {  	[spmem:s2] =	stream.indirect.scatter.add.f32 [tilespmem:s16], [sflag:$0x2], $0x10, s7, s21, $0xb8;
	[tilespmem:$0x1DD30] =	vst v63  }
0x5b: {  	_ =	swait.ge [sflag:s17], $0x500  }
0x5c: {  	[sflag:s17] =	ssyncset.done $0x0  }
.Ltmp0:
0x5d: {  	[sflag:s17] =	ssyncadd.s32 $0xFFFFFB00;
	(pc) =	sbr.rel @p1 .LBB2_2-.Ltmp0, $4  }
0x5e: {  	[spmem:s1] =	stream.indirect.scatter.add.f32 [tilespmem:s23], [sflag:$0x2], $0x80, s7, s21, $0xb8;
	[tilespmem:$0x1DD30] =	vst v63  }
0x5f: {  	_ =	swait.ge [sflag:s17], $0x2800  }
0x60: {  	[sflag:s17] =	ssyncset.done $0x0  }
0x61: {  	s6 =	sadd.s32 $0xF0, s6;
	[sflag:s17] =	ssyncadd.s32 $0xFFFFD800  }
0x62: {  	[tilespmem:s23], [sflag:$0x1] =	stream.indirect.gather [hbm4b:s5+s21], $0x80, s6, s21, $0xb8;
	[tilespmem:$0x1DD30] =	vst v63  }
0x63: {  	_ =	swait.ge [sflag:s26], $0x2800  }
0x64: {  	s3 =	sshra.s32 s3, $0x2;
	[sflag:s26] =	ssyncset.done $0x0  }
0x65: {  	s7 =	sadd.s32 $0x1450, s3;
	[sflag:s26] =	ssyncadd.s32 $0xFFFFD800  }
0x66: {  	[spmem:s2] =	stream.indirect.scatter.add.f32 [tilespmem:s16], [sflag:$0x2], $0x10, s7, s21, $0xb8;
	[tilespmem:$0x1DD30] =	vst v63  }
0x67: {  	_ =	swait.ge [sflag:s17], $0x500  }
0x68: {  	[sflag:s17] =	ssyncset.done $0x0  }
0x69: {  	[sflag:s17] =	ssyncadd.s32 $0xFFFFFB00  }
0x6a: {  	[spmem:s1] =	stream.indirect.scatter.add.f32 [tilespmem:s22], [sflag:$0x2], $0x80, s7, s21, $0xb8;
	[tilespmem:$0x1DD30] =	vst v63  }
0x6b: {  	_ =	swait.ge [sflag:s17], $0x2800  }
0x6c: {  	[sflag:s17] =	ssyncset.done $0x0  }
0x6d: {  	s7 =	sadd.s32 $0xA0, s3;
	[sflag:s17] =	ssyncadd.s32 $0xFFFFD800  }
0x6e: {  	[tilespmem:s22], [sflag:$0x1] =	stream.indirect.gather [hbm4b:s5+s21], $0x80, s7, s21, $0xb8;
	[tilespmem:$0x1DD30] =	vst v63  }
0x6f: {  	_ =	swait.ge [sflag:s26], $0x2800  }
0x70: {  	[sflag:s26] =	ssyncset.done $0x0  }
0x71: {  	s3 =	sadd.s32 $0x14A0, s3;
	[sflag:s26] =	ssyncadd.s32 $0xFFFFD800  }
0x72: {  	[spmem:s2] =	stream.indirect.scatter.add.f32 [tilespmem:s16], [sflag:$0x2], $0x10, s3, s21, $0xb8;
	[tilespmem:$0x1DD30] =	vst v63  }
0x73: {  	_ =	swait.ge [sflag:s17], $0x500  }
0x74: {  	[sflag:s17] =	ssyncset.done $0x0  }
0x75: {  	[sflag:s17] =	ssyncadd.s32 $0xFFFFFB00  }
0x76: {  	[spmem:s1] =	stream.indirect.scatter.add.f32 [tilespmem:s23], [sflag:$0x2], $0x80, s3, s21, $0xb8;
	[tilespmem:$0x1DD30] =	vst v63  }
0x77: {  	_ =	swait.ge [sflag:s17], $0x2800  }
0x78: {  	[sflag:s17] =	ssyncset.done $0x0  }
0x79: {  	[sflag:s17] =	ssyncadd.s32 $0xFFFFD800  }
0x7a: {  	_ =	swait.ge [sflag:s26], $0x2800  }
0x7b: {  	[sflag:s26] =	ssyncset.done $0x0  }
0x7c: {  	[sflag:s26] =	ssyncadd.s32 $0xFFFFD800  }
0x7d: {  	[spmem:s2] =	stream.indirect.scatter.add.f32 [tilespmem:s16], [sflag:$0x2], $0x10, s28, s21, $0xb8;
	[tilespmem:$0x1DD30] =	vst v63  }
0x7e: {  	_ =	swait.ge [sflag:s17], $0x500  }
0x7f: {  	[sflag:s17] =	ssyncset.done $0x0  }
0x80: {  	[sflag:s17] =	ssyncadd.s32 $0xFFFFFB00  }
0x81: {  	[spmem:s1] =	stream.indirect.scatter.add.f32 [tilespmem:s22], [sflag:$0x2], $0x80, s28, s21, $0xb8;
	[tilespmem:$0x1DD30] =	vst v63  }
0x82: {  	_ =	swait.ge [sflag:s17], $0x2800  }
0x83: {  	[sflag:s17] =	ssyncset.done $0x0  }
0x84: {  	s6 =	simm.s32 $0x0;
	[sflag:s17] =	ssyncadd.s32 $0xFFFFD800  }
0x85: {  	[tilespmem:s6], [sflag:$0x2] =	stream.linear.gather [hbm4b:s11+s6], $0x12C0, $0x38;
	[tilespmem:$0x1DD30] =	vst v63  }
0x86: {  	_ =	swait.ge [sflag:s17], $0x12C0  }
0x87: {  	[sflag:s17] =	ssyncset.done $0x0  }
0x88: {  	[sflag:s17] =	ssyncadd.s32 $0xFFFFED40  }
0x89: {  	[tilespmem:s20], [sflag:$0x2] =	stream.linear.gather [hbm4b:s12+s6], $0x12C0, $0x38;
	[tilespmem:$0x1DD30] =	vst v63  }
0x8a: {  	_ =	swait.ge [sflag:s17], $0x12C0  }
0x8b: {  	[sflag:s17] =	ssyncset.done $0x0  }
0x8c: {  	[sflag:s17] =	ssyncadd.s32 $0xFFFFED40  }
0x8d: {  	[tilespmem:s22], [sflag:$0x1] =	stream.indirect.gather [hbm4b:s5+s21], $0x80, s6, s21, $0xb8;
	[tilespmem:$0x1DD30] =	vst v63  }
0x8e: {  	_ = 	snop  }
0x8f: {  	[tilespmem:s23], [sflag:$0x1] =	stream.indirect.gather [hbm4b:s5+s21], $0x80, s21, s21, $0xb8;
	[tilespmem:$0x1DD30] =	vst v63  }
0x90: {  	_ =	swait.ge [sflag:s26], $0x2800  }
0x91: {  	[sflag:s26] =	ssyncset.done $0x0  }
0x92: {  	s7 =	simm.s32 $0x1450;
	[sflag:s26] =	ssyncadd.s32 $0xFFFFD800  }
0x93: {  	[spmem:s2] =	stream.indirect.scatter.add.f32 [tilespmem:s16], [sflag:$0x2], $0x10, s7, s21, $0xb8;
	[tilespmem:$0x1DD30] =	vst v63  }
0x94: {  	_ =	swait.ge [sflag:s17], $0x500  }
0x95: {  	[sflag:s17] =	ssyncset.done $0x0  }
0x96: {  	[sflag:s17] =	ssyncadd.s32 $0xFFFFFB00  }
0x97: {  	[spmem:s1] =	stream.indirect.scatter.add.f32 [tilespmem:s22], [sflag:$0x2], $0x80, s7, s21, $0xb8;
	[tilespmem:$0x1DD30] =	vst v63  }
0x98: {  	_ =	swait.ge [sflag:s17], $0x2800  }
0x99: {  	[sflag:s17] =	ssyncset.done $0x0  }
0x9a: {  	s6 =	simm.s32 $0xA0;
	[sflag:s17] =	ssyncadd.s32 $0xFFFFD800  }
0x9b: {  	[tilespmem:s22], [sflag:$0x1] =	stream.indirect.gather [hbm4b:s5+s21], $0x80, s6, s21, $0xb8;
	[tilespmem:$0x1DD30] =	vst v63  }
0x9c: {  	_ =	swait.ge [sflag:s26], $0x2800  }
0x9d: {  	[sflag:s26] =	ssyncset.done $0x0  }
0x9e: {  	s7 =	simm.s32 $0x14A0;
	[sflag:s26] =	ssyncadd.s32 $0xFFFFD800  }
0x9f: {  	[spmem:s2] =	stream.indirect.scatter.add.f32 [tilespmem:s16], [sflag:$0x2], $0x10, s7, s21, $0xb8;
	[tilespmem:$0x1DD30] =	vst v63  }
0xa0: {  	_ =	swait.ge [sflag:s17], $0x500  }
0xa1: {  	[sflag:s17] =	ssyncset.done $0x0  }
0xa2: {  	[sflag:s17] =	ssyncadd.s32 $0xFFFFFB00  }
0xa3: {  	[spmem:s1] =	stream.indirect.scatter.add.f32 [tilespmem:s23], [sflag:$0x2], $0x80, s7, s21, $0xb8;
	[tilespmem:$0x1DD30] =	vst v63  }
0xa4: {  	_ =	swait.ge [sflag:s17], $0x2800  }
0xa5: {  	[sflag:s17] =	ssyncset.done $0x0  }
0xa6: {  	s3 =	simm.s32 $0x280;
	s6 =	simm.s32 $0xF0;
	[sflag:s17] =	ssyncadd.s32 $0xFFFFD800  }
.LBB2_4:
0xa7: {  	[tilespmem:s23], [sflag:$0x1] =	stream.indirect.gather [hbm4b:s5+s21], $0x80, s6, s21, $0xb8;
	[tilespmem:$0x1DD30] =	vst v63  }
0xa8: {  	s6 =	smov.u32 s3  }
0xa9: {  	p1 =	sne.s32 s3, $0x4600;
	s3 =	sadd.s32 $0x280, s3;
	_ =	swait.ge [sflag:s26], $0x2800  }
0xaa: {  	s6 =	sshra.s32 s6, $0x2;
	[sflag:s26] =	ssyncset.done $0x0  }
0xab: {  	s7 =	sadd.s32 $0x1450, s6;
	[sflag:s26] =	ssyncadd.s32 $0xFFFFD800  }
0xac: {  	[spmem:s2] =	stream.indirect.scatter.add.f32 [tilespmem:s16], [sflag:$0x2], $0x10, s7, s21, $0xb8;
	[tilespmem:$0x1DD30] =	vst v63  }
0xad: {  	_ =	swait.ge [sflag:s17], $0x500  }
0xae: {  	[sflag:s17] =	ssyncset.done $0x0  }
0xaf: {  	[sflag:s17] =	ssyncadd.s32 $0xFFFFFB00  }
0xb0: {  	[spmem:s1] =	stream.indirect.scatter.add.f32 [tilespmem:s22], [sflag:$0x2], $0x80, s7, s21, $0xb8;
	[tilespmem:$0x1DD30] =	vst v63  }
0xb1: {  	_ =	swait.ge [sflag:s17], $0x2800  }
0xb2: {  	[sflag:s17] =	ssyncset.done $0x0  }
0xb3: {  	s7 =	sadd.s32 $0xA0, s6;
	[sflag:s17] =	ssyncadd.s32 $0xFFFFD800  }
0xb4: {  	[tilespmem:s22], [sflag:$0x1] =	stream.indirect.gather [hbm4b:s5+s21], $0x80, s7, s21, $0xb8;
	[tilespmem:$0x1DD30] =	vst v63  }
0xb5: {  	_ =	swait.ge [sflag:s26], $0x2800  }
0xb6: {  	[sflag:s26] =	ssyncset.done $0x0  }
0xb7: {  	s7 =	sadd.s32 $0x14A0, s6;
	[sflag:s26] =	ssyncadd.s32 $0xFFFFD800  }
0xb8: {  	[spmem:s2] =	stream.indirect.scatter.add.f32 [tilespmem:s16], [sflag:$0x2], $0x10, s7, s21, $0xb8;
	[tilespmem:$0x1DD30] =	vst v63  }
0xb9: {  	_ =	swait.ge [sflag:s17], $0x500  }
0xba: {  	[sflag:s17] =	ssyncset.done $0x0  }
.Ltmp1:
0xbb: {  	[sflag:s17] =	ssyncadd.s32 $0xFFFFFB00;
	(pc) =	sbr.rel @p1 .LBB2_4-.Ltmp1, $4  }
0xbc: {  	[spmem:s1] =	stream.indirect.scatter.add.f32 [tilespmem:s23], [sflag:$0x2], $0x80, s7, s21, $0xb8;
	[tilespmem:$0x1DD30] =	vst v63  }
0xbd: {  	_ =	swait.ge [sflag:s17], $0x2800  }
0xbe: {  	[sflag:s17] =	ssyncset.done $0x0  }
0xbf: {  	s6 =	sadd.s32 $0xF0, s6;
	[sflag:s17] =	ssyncadd.s32 $0xFFFFD800  }
0xc0: {  	[tilespmem:s23], [sflag:$0x1] =	stream.indirect.gather [hbm4b:s5+s21], $0x80, s6, s21, $0xb8;
	[tilespmem:$0x1DD30] =	vst v63  }
0xc1: {  	_ =	swait.ge [sflag:s26], $0x2800  }
0xc2: {  	[sflag:s26] =	ssyncset.done $0x0  }
0xc3: {  	[sflag:s26] =	ssyncadd.s32 $0xFFFFD800  }
0xc4: {  	[spmem:s2] =	stream.indirect.scatter.add.f32 [tilespmem:s16], [sflag:$0x2], $0x10, s29, s21, $0xb8;
	[tilespmem:$0x1DD30] =	vst v63  }
0xc5: {  	_ =	swait.ge [sflag:s17], $0x500  }
0xc6: {  	[sflag:s17] =	ssyncset.done $0x0  }
0xc7: {  	[sflag:s17] =	ssyncadd.s32 $0xFFFFFB00  }
0xc8: {  	[spmem:s1] =	stream.indirect.scatter.add.f32 [tilespmem:s22], [sflag:$0x2], $0x80, s29, s21, $0xb8;
	[tilespmem:$0x1DD30] =	vst v63  }
0xc9: {  	_ =	swait.ge [sflag:s17], $0x2800  }
0xca: {  	[sflag:s17] =	ssyncset.done $0x0  }
0xcb: {  	[sflag:s17] =	ssyncadd.s32 $0xFFFFD800  }
0xcc: {  	_ =	swait.ge [sflag:s26], $0x2800  }
0xcd: {  	[sflag:s26] =	ssyncset.done $0x0  }
0xce: {  	[sflag:s26] =	ssyncadd.s32 $0xFFFFD800  }
0xcf: {  	[spmem:s2] =	stream.indirect.scatter.add.f32 [tilespmem:s16], [sflag:$0x2], $0x10, s30, s21, $0xb8;
	[tilespmem:$0x1DD30] =	vst v63  }
0xd0: {  	_ =	swait.ge [sflag:s17], $0x500  }
0xd1: {  	[sflag:s17] =	ssyncset.done $0x0  }
0xd2: {  	[sflag:s17] =	ssyncadd.s32 $0xFFFFFB00  }
0xd3: {  	[spmem:s1] =	stream.indirect.scatter.add.f32 [tilespmem:s23], [sflag:$0x2], $0x80, s30, s21, $0xb8;
	[tilespmem:$0x1DD30] =	vst v63  }
0xd4: {  	_ =	swait.ge [sflag:s17], $0x2800  }
0xd5: {  	[sflag:s17] =	ssyncset.done $0x0  }
0xd6: {  	[sflag:s17] =	ssyncadd.s32 $0xFFFFD800  }
0xd7: {  	s3 =	simm.s32 @!p0 $0x2;
	[bflag:$0x0] =	sbarrier.arrive $0xFFFF  }
0xd8: {  	[hbm:s13], [sflag:s0] =	dma.local @!p0 [spmem:s24], $0x3E80  }
0xd9: {  	s31 =	sadd.s32 $0x1, s31;
	_ =	swait.ge @!p0 [sflag:s3], $0x3E80  }
0xda: {  	p1 =	sne.s32 s31, s15;
	[sflag:s3] =	ssyncset.done @!p0 $0x0  }
.Ltmp2:
0xdb: {  	[sflag:s3] =	ssyncadd.s32 @!p0 $0xFFFFC180;
	(pc) =	sbr.rel @p1 .LBB2_1-.Ltmp2, $4  }
0xdc: {  	[hbm:s14], [sflag:s0] =	dma.local @!p0 [spmem:s25], $0x7D0  }
0xdd: {  	_ =	swait.ge @!p0 [sflag:s3], $0x7D0  }
0xde: {  	[sflag:s3] =	ssyncset.done @!p0 $0x0  }
0xdf: {  	[sflag:s3] =	ssyncadd.s32 @!p0 $0xFFFFF830  }
0xe0: {  	_ =	sfence.sel $0x180000  }
0xe1: {  	[bflag:$0x0] =	sbarrier.arrive $0xFFFF  }
0xe2: {  	_ =	strace $0x90000047  }
0xe3: {  	s0 =	stileid.u32;
	[bflag:$0x2] =	sbarrier.arrive $0xFFFF  }
0xe4: {  	p0 =	sne.s32 s0, $0x0;
	s0 =	rddreg [dreg:$0x4]  }
0xe5: {  	s0 =	sadd.s32 @!p0 $0x100000, s0  }
0xe6: {  	[sflag:s0] =	ssyncadd.tile.s32 @!p0 $0x1;
	_ =	shalt  }
.Lfunc_end2:
_tile_overlayer_lowered:
.L_overlay_start_2:
0xe7: {  	(tag) =	ssettag $0x2  }
0xe8: {  	s0 =	rddreg [dreg:$0x0];
	s2 =	stileid.u32  }
0xe9: {  	s1 =	rddreg [dreg:$0x1];
	p0 =	sne.s32 s2, $0x0  }
0xea: {  	s3 =	rddreg [dreg:$0x2];
	[bflag:$0x3] =	sbarrier.arrive $0xFFFF;
	s2 =	simm.s32 @!p0 $0x1C02  }
0xeb: {  	[timem:s3], [sflag:s2] =	dma.local @!p0 [hbm:s0], s1  }
0xec: {  	s0 =	simm.s32 @!p0 $0x2  }
0xed: {  	_ =	swait.ge @!p0 [sflag:s0], s1  }
0xee: {  	s1 =	ssub.s32 @!p0 $0x0, s1;
	[sflag:s0] =	ssyncset.done @!p0 $0x0  }
0xef: {  	[sflag:s0] =	ssyncadd.s32 @!p0 s1  }
0xf0: {  	[bflag:$0x3] =	sbarrier.arrive $0xFFFF  }
0xf1: {  	_ =	shalt  }

</sc_bundles>
